<compile_context>
chip_gen: v7x
topology: tpu7x:2x2x1
jax: 0.10.2.dev20260603
libtpu: 0.0.44.dev20260713+nightly
codegen_flags: <defaults>
</compile_context>

<pallas_src>
import functools

import jax
import jax.numpy as jnp
from jax import lax
from jax.experimental import pallas as pl
from jax.experimental.pallas import tpu as pltpu
from jax.experimental.pallas import tpu_sc as plsc


def _sc_gather(time_emb, timestep):
    B = timestep.shape[0]
    C = time_emb.shape[1]
    rows_per_worker = 8
    n_workers = B // rows_per_worker
    mesh = plsc.VectorSubcoreMesh(core_axis_name="c", subcore_axis_name="s")
    info = plsc.get_sparse_core_info()
    nc = info.num_cores

    @functools.partial(
        pl.kernel,
        mesh=mesh,
        out_type=jax.ShapeDtypeStruct((B, C), jnp.float32),
        scratch_types=[
            pltpu.VMEM((rows_per_worker,), jnp.int32),
            pltpu.VMEM((rows_per_worker, C), jnp.float32),
            pltpu.SemaphoreType.DMA,
        ],
    )
    def gather(table_hbm, idx_hbm, out_hbm, idx_v, rows_v, sem):
        wid = lax.axis_index("s") * nc + lax.axis_index("c")

        @pl.when(wid < n_workers)
        def _():
            base = wid * rows_per_worker
            pltpu.sync_copy(idx_hbm.at[pl.ds(base, rows_per_worker)], idx_v)
            pltpu.async_copy(table_hbm.at[idx_v], rows_v, sem).wait()
            pltpu.sync_copy(rows_v, out_hbm.at[pl.ds(base, rows_per_worker)])

    return gather(time_emb, timestep)


_CHUNK_ROWS = 768
_DEPTH = 4


def _make_stream_body(n_chunks, chunks_per_b, hw):
    cr = _CHUNK_ROWS

    def body(time_t_ref, x_hbm, out_hbm, inbuf, outbuf, insem, outsem):
        def perm(i):
            return lax.rem(i, _DEPTH) * (n_chunks // _DEPTH) + i // _DEPTH

        def in_copy(chunk, slot):
            b0 = (chunk // 4) * 4
            c0 = lax.rem(chunk, 4) * 192
            return pltpu.make_async_copy(
                x_hbm.at[pl.ds(b0, 4), pl.ds(c0, 192), :],
                inbuf.at[slot],
                insem.at[slot],
            )

        def out_copy(chunk, slot):
            b0 = (chunk // 4) * 4
            c0 = lax.rem(chunk, 4) * 192
            return pltpu.make_async_copy(
                outbuf.at[slot],
                out_hbm.at[pl.ds(b0, 4), pl.ds(c0, 192), :],
                outsem.at[slot],
            )

        def start_in(chunk, slot):
            in_copy(chunk, slot).start(priority=slot % 2)

        def wait_in(chunk, slot):
            in_copy(chunk, slot).wait()

        def start_out(chunk, slot):
            out_copy(chunk, slot).start(priority=slot % 2)

        def wait_out(chunk, slot):
            out_copy(chunk, slot).wait()

        for j in range(_DEPTH):
            start_in(perm(j), j)

        n_groups = n_chunks // _DEPTH

        def step(g, _):
            for j in range(_DEPTH):
                i = g * _DEPTH + j
                chunk = perm(i)
                b0 = (chunk // 4) * 4
                c0 = lax.rem(chunk, 4) * 192
                wait_in(chunk, j)

                @pl.when(g > 0)
                def _():
                    wait_out(perm(i - _DEPTH), j)

                tcol = time_t_ref[pl.ds(c0, 192), :]
                sh = (4,) + tcol.shape
                lane = lax.broadcasted_iota(jnp.int32, sh, 2)
                bsel = lax.broadcasted_iota(jnp.int32, sh, 0) + b0
                vals = jnp.sum(
                    jnp.where(lane == bsel, tcol[None], 0.0), axis=2, keepdims=True
                )
                outbuf[j] = inbuf[j] + vals
                start_out(chunk, j)

                @pl.when(i + _DEPTH < n_chunks)
                def _():
                    start_in(perm(i + _DEPTH), j)

            return 0

        lax.fori_loop(0, n_groups, step, 0)
        for j in range(_DEPTH):
            wait_out(perm(n_chunks - _DEPTH + j), j)

    return body


def kernel(x, timestep, time_emb):
    B, C, H, W = x.shape
    HW = H * W
    time = _sc_gather(time_emb, timestep.astype(jnp.int32))
    time_t = time.T
    x3 = x.reshape(B, C, HW)
    chunks_per_b = C // _CHUNK_ROWS
    n_chunks = (B * C) // _CHUNK_ROWS
    out = pl.pallas_call(
        _make_stream_body(n_chunks, chunks_per_b, HW),
        in_specs=[
            pl.BlockSpec(memory_space=pltpu.VMEM),
            pl.BlockSpec(memory_space=pltpu.HBM),
        ],
        out_specs=pl.BlockSpec(memory_space=pltpu.HBM),
        out_shape=jax.ShapeDtypeStruct((B, C, HW), x.dtype),
        scratch_shapes=[
            pltpu.VMEM((_DEPTH, 4, 192, HW), jnp.float32),
            pltpu.VMEM((_DEPTH, 4, 192, HW), jnp.float32),
            pltpu.SemaphoreType.DMA((_DEPTH,)),
            pltpu.SemaphoreType.DMA((_DEPTH,)),
        ],
    )(time_t, x3)
    return out.reshape(B, C, H, W)

# --- scband reference (transcript-rebuilt; emitter-appended) ---
"""Pipeline reference for scband-time-context-embedding-70368744178329 (READ-ONLY COPY).

The authoritative reference and input builder live on the scoring server;
editing this copy changes nothing except your own understanding.
"""

import jax, jax.numpy as jnp
import numpy as np


def _sinusoidal_table(T, C):
    # Initial value of the learned time_emb parameter, mimicking a 1D sinusoidal
    # positional encoding over max_timesteps positions and in_channels channels.
    pos = np.arange(T, dtype=np.float64)[:, None]
    i = np.arange(C // 2, dtype=np.float64)
    div = np.power(10000.0, 2.0 * i / C)
    emb = np.zeros((T, C), dtype=np.float64)
    emb[:, 0::2] = np.sin(pos / div)
    emb[:, 1::2] = np.cos(pos / div)
    return jnp.asarray(emb, dtype=jnp.float32)


def setup_inputs(seed: int = 0) -> dict:
    key = jax.random.key(seed)
    k1, k2 = jax.random.split(key, 2)
    B, C, H, W = 32, 768, 32, 32
    T = 64
    x = jax.random.normal(k1, (B, C, H, W), dtype=jnp.float32)
    timestep = jax.random.randint(k2, (B,), 0, T, dtype=jnp.int64 if jax.config.jax_enable_x64 else jnp.int32)
    time_emb = _sinusoidal_table(T, C)  # learned parameter [max_timesteps, in_channels]
    return {"x": x, "timestep": timestep, "time_emb": time_emb}


def reference(x, timestep, time_emb):
    # time = self.time_emb[timestep]  -> (B, C)
    time = jnp.take(time_emb, timestep, axis=0)
    # view to (B, C, 1, ..., 1) matching x's trailing spatial dims
    dims = tuple(time.shape) + (1,) * (x.ndim - 2)
    time = time.reshape(dims)
    # broadcast add (expand_as + add)
    x_t = x + time
    return x_t

if __name__ == "__main__":
    import jax
    _d = setup_inputs()
    print(jax.jit(kernel)(*tuple(_d.values())))

</pallas_src>

<mosaic_0001>
#map = affine_map<(d0, d1) -> (0, 0)>
#map1 = affine_map<(d0, d1) -> (0)>
module attributes {stable_mosaic.version = 14 : i64} {
  func.func @gather(%arg0: i32, %arg1: i32, %arg2: memref<64x768xf32, #tpu.memory_space<hbm>>, %arg3: memref<32xi32, #tpu.memory_space<hbm>>, %arg4: memref<32x768xf32, #tpu.memory_space<hbm>>, %arg5: memref<8xi32, #tpu.memory_space<vmem>>, %arg6: memref<8x768xf32, #tpu.memory_space<vmem>>, %arg7: memref<!tpu.dma_semaphore, #tpu.memory_space<semaphore_mem>>) attributes {dimension_semantics = [#tpu.dimension_semantics<core_parallel>, #tpu.dimension_semantics<subcore_parallel>], iteration_bounds = array<i64: 2, 16>, scalar_prefetch = 0 : i64, scratch_operands = 3 : i64, tpu.core_type = #tpu.core_type<sc_vector_subcore>, window_params = [{transform_indices = #map}, {transform_indices = #map1}, {transform_indices = #map}]} {
    %mul3A = arith.constant 2 : i32
    %mul3A_0 = arith.muli %arg1, %mul3A : i32
    %add3A = arith.addi %mul3A_0, %arg0 : i32
    %lt3A = arith.constant 4 : i32
    %lt3A_1 = arith.cmpi slt, %add3A, %lt3A : i32
    %convert_element_type3A = arith.extui %lt3A_1 : i1 to i32
    %cond3A = arith.constant 0 : i32
    %cond3A_2 = arith.cmpi ne, %convert_element_type3A, %cond3A : i32
    scf.if %cond3A_2 {
      %mul3A_3 = arith.constant 8 : i32
      %mul3A_4 = arith.muli %add3A, %mul3A_3 : i32
      "tpu.region"() ({
        %run_scoped3A = tpu.sem_alloc : memref<!tpu.dma_semaphore, #tpu.memory_space<semaphore_mem>>
        %dma_start3A_9 = tpu.memref_slice %arg3[%mul3A_4] : memref<32xi32, #tpu.memory_space<hbm>> -> memref<8xi32, #tpu.memory_space<hbm>>
        %dma_start3A_10 = tpu.memref_slice %arg3[%mul3A_4] : memref<32xi32, #tpu.memory_space<hbm>> -> memref<8xi32, #tpu.memory_space<hbm>>
        tpu.enqueue_dma source(%dma_start3A_10 : memref<8xi32, #tpu.memory_space<hbm>>) target(%arg5 : memref<8xi32, #tpu.memory_space<vmem>>) target_semaphore(%run_scoped3A : memref<!tpu.dma_semaphore, #tpu.memory_space<semaphore_mem>>)
        %dma_wait3A_11 = tpu.memref_slice %arg3[%mul3A_4] : memref<32xi32, #tpu.memory_space<hbm>> -> memref<8xi32, #tpu.memory_space<hbm>>
        %dma_wait3A_12 = tpu.memref_slice %arg3[%mul3A_4] : memref<32xi32, #tpu.memory_space<hbm>> -> memref<8xi32, #tpu.memory_space<hbm>>
        tpu.wait_dma2 semaphore(%run_scoped3A : memref<!tpu.dma_semaphore, #tpu.memory_space<semaphore_mem>>) src(%dma_wait3A_12 : memref<8xi32, #tpu.memory_space<hbm>>) dst(%arg5 : memref<8xi32, #tpu.memory_space<vmem>>)
        tpu.yield
      }) : () -> ()
      %dma_start3A = arith.constant 0 : i32
      %dma_start3A_5 = arith.constant 0 : i32
      %dma_start3A_6 = tpu.memref_slice %arg2[%dma_start3A, %dma_start3A_5] : memref<64x768xf32, #tpu.memory_space<hbm>> -> memref<64x768xf32, #tpu.memory_space<hbm>>
      tpu.enqueue_indirect_dma source(%dma_start3A_6 : memref<64x768xf32, #tpu.memory_space<hbm>>) target(%arg6 : memref<8x768xf32, #tpu.memory_space<vmem>>) offsets(%arg5 : memref<8xi32, #tpu.memory_space<vmem>>) semaphore(%arg7 : memref<!tpu.dma_semaphore, #tpu.memory_space<semaphore_mem>>)
      %dma_wait3A = arith.constant 0 : i32
      %dma_wait3A_7 = arith.constant 0 : i32
      %dma_wait3A_8 = tpu.memref_slice %arg2[%dma_wait3A, %dma_wait3A_7] : memref<64x768xf32, #tpu.memory_space<hbm>> -> memref<64x768xf32, #tpu.memory_space<hbm>>
      tpu.wait_indirect_dma semaphore(%arg7 : memref<!tpu.dma_semaphore, #tpu.memory_space<semaphore_mem>>) src(%dma_wait3A_8 : memref<64x768xf32, #tpu.memory_space<hbm>>) dst(%arg6 : memref<8x768xf32, #tpu.memory_space<vmem>>)
      "tpu.region"() ({
        %run_scoped3A = tpu.sem_alloc : memref<!tpu.dma_semaphore, #tpu.memory_space<semaphore_mem>>
        %dma_start3A_9 = arith.constant 0 : i32
        %dma_start3A_10 = tpu.memref_slice %arg4[%mul3A_4, %dma_start3A_9] : memref<32x768xf32, #tpu.memory_space<hbm>> -> memref<8x768xf32, #tpu.memory_space<hbm>>
        %dma_start3A_11 = arith.constant 0 : i32
        %dma_start3A_12 = tpu.memref_slice %arg4[%mul3A_4, %dma_start3A_11] : memref<32x768xf32, #tpu.memory_space<hbm>> -> memref<8x768xf32, #tpu.memory_space<hbm>>
        tpu.enqueue_dma source(%arg6 : memref<8x768xf32, #tpu.memory_space<vmem>>) target(%dma_start3A_12 : memref<8x768xf32, #tpu.memory_space<hbm>>) target_semaphore(%run_scoped3A : memref<!tpu.dma_semaphore, #tpu.memory_space<semaphore_mem>>)
        %dma_wait3A_13 = arith.constant 0 : i32
        %dma_wait3A_14 = tpu.memref_slice %arg4[%mul3A_4, %dma_wait3A_13] : memref<32x768xf32, #tpu.memory_space<hbm>> -> memref<8x768xf32, #tpu.memory_space<hbm>>
        %dma_wait3A_15 = arith.constant 0 : i32
        %dma_wait3A_16 = tpu.memref_slice %arg4[%mul3A_4, %dma_wait3A_15] : memref<32x768xf32, #tpu.memory_space<hbm>> -> memref<8x768xf32, #tpu.memory_space<hbm>>
        tpu.wait_dma2 semaphore(%run_scoped3A : memref<!tpu.dma_semaphore, #tpu.memory_space<semaphore_mem>>) src(%arg6 : memref<8x768xf32, #tpu.memory_space<vmem>>) dst(%dma_wait3A_16 : memref<8x768xf32, #tpu.memory_space<hbm>>)
        tpu.yield
      }) : () -> ()
    } else {
    }
    return
  }
}

module attributes {stable_mosaic.version = 14 : i64} {
  func.func @body(%arg0: memref<768x32xf32, #tpu.memory_space<vmem>>, %arg1: memref<32x768x1024xf32, #tpu.memory_space<hbm>>, %arg2: memref<32x768x1024xf32, #tpu.memory_space<hbm>>, %arg3: memref<4x4x192x1024xf32, #tpu.memory_space<vmem>>, %arg4: memref<4x4x192x1024xf32, #tpu.memory_space<vmem>>, %arg5: memref<4x!tpu.dma_semaphore, #tpu.memory_space<semaphore_mem>>, %arg6: memref<4x!tpu.dma_semaphore, #tpu.memory_space<semaphore_mem>>) attributes {dimension_semantics = [], scalar_prefetch = 0 : i64, scratch_operands = 4 : i64, tpu.core_type = #tpu.core_type<tc>} {
    %rem3A = arith.constant 0 : i32
    %rem3A_0 = arith.constant 4 : i32
    %rem3A_1 = arith.remsi %rem3A, %rem3A_0 : i32
    %mul3A = arith.constant 8 : i32
    %mul3A_2 = arith.muli %rem3A_1, %mul3A : i32
    %add3A = arith.constant 0 : i32
    %add3A_3 = arith.addi %mul3A_2, %add3A : i32
    %jit3A = arith.constant 4 : i32
    %div3A = arith.divsi %add3A_3, %jit3A : i32
    %sign3A = arith.constant 0 : i32
    %sign3A_4 = arith.cmpi sgt, %add3A_3, %sign3A : i32
    %sign3A_5 = arith.extui %sign3A_4 : i1 to i32
    %sign3A_6 = arith.constant 0 : i32
    %sign3A_7 = arith.cmpi slt, %add3A_3, %sign3A_6 : i32
    %sign3A_8 = arith.extui %sign3A_7 : i1 to i32
    %sign3A_9 = arith.subi %sign3A_5, %sign3A_8 : i32
    %sign3A_10 = arith.constant 0 : i32
    %sign3A_11 = arith.cmpi sgt, %jit3A, %sign3A_10 : i32
    %sign3A_12 = arith.extui %sign3A_11 : i1 to i32
    %sign3A_13 = arith.constant 0 : i32
    %sign3A_14 = arith.cmpi slt, %jit3A, %sign3A_13 : i32
    %sign3A_15 = arith.extui %sign3A_14 : i1 to i32
    %sign3A_16 = arith.subi %sign3A_12, %sign3A_15 : i32
    %ne3A = arith.cmpi ne, %sign3A_9, %sign3A_16 : i32
    %rem3A_17 = arith.remsi %add3A_3, %jit3A : i32
    %ne3A_18 = arith.constant 0 : i32
    %ne3A_19 = arith.cmpi ne, %rem3A_17, %ne3A_18 : i32
    %and3A = arith.andi %ne3A, %ne3A_19 : i1
    %sub3A = arith.constant 1 : i32
    %sub3A_20 = arith.subi %div3A, %sub3A : i32
    %select_n3A = arith.select %and3A, %sub3A_20, %div3A : i32
    %mul3A_21 = arith.constant 4 : i32
    %mul3A_22 = arith.muli %select_n3A, %mul3A_21 : i32
    %rem3A_23 = arith.constant 4 : i32
    %rem3A_24 = arith.remsi %add3A_3, %rem3A_23 : i32
    %mul3A_25 = arith.constant 192 : i32
    %mul3A_26 = arith.muli %rem3A_24, %mul3A_25 : i32
    %dma_start3A = arith.constant 0 : i32
    %dma_start3A_27 = arith.constant 0 : i32
    %dma_start3A_28 = tpu.memref_slice %arg5[%dma_start3A_27] : memref<4x!tpu.dma_semaphore, #tpu.memory_space<semaphore_mem>> -> memref<1x!tpu.dma_semaphore, #tpu.memory_space<semaphore_mem>>
    %dma_start3A_29 = tpu.memref_squeeze %dma_start3A_28 : memref<1x!tpu.dma_semaphore, #tpu.memory_space<semaphore_mem>> -> memref<!tpu.dma_semaphore, #tpu.memory_space<semaphore_mem>>
    %dma_start3A_30 = arith.constant 0 : i32
    %dma_start3A_31 = arith.constant 0 : i32
    %dma_start3A_32 = arith.constant 0 : i32
    %dma_start3A_33 = tpu.memref_slice %arg3[%dma_start3A, %dma_start3A_30, %dma_start3A_31, %dma_start3A_32] : memref<4x4x192x1024xf32, #tpu.memory_space<vmem>> -> memref<1x4x192x1024xf32, #tpu.memory_space<vmem>>
    %dma_start3A_34 = tpu.memref_squeeze %dma_start3A_33 : memref<1x4x192x1024xf32, #tpu.memory_space<vmem>> -> memref<4x192x1024xf32, #tpu.memory_space<vmem>>
    %dma_start3A_35 = arith.constant 0 : i32
    %dma_start3A_36 = tpu.memref_slice %arg1[%mul3A_22, %mul3A_26, %dma_start3A_35] : memref<32x768x1024xf32, #tpu.memory_space<hbm>> -> memref<4x192x1024xf32, #tpu.memory_space<hbm>>
    tpu.enqueue_dma source(%dma_start3A_36 : memref<4x192x1024xf32, #tpu.memory_space<hbm>>) target(%dma_start3A_34 : memref<4x192x1024xf32, #tpu.memory_space<vmem>>) target_semaphore(%dma_start3A_29 : memref<!tpu.dma_semaphore, #tpu.memory_space<semaphore_mem>>)
    %rem3A_37 = arith.constant 1 : i32
    %rem3A_38 = arith.constant 4 : i32
    %rem3A_39 = arith.remsi %rem3A_37, %rem3A_38 : i32
    %mul3A_40 = arith.constant 8 : i32
    %mul3A_41 = arith.muli %rem3A_39, %mul3A_40 : i32
    %add3A_42 = arith.constant 0 : i32
    %add3A_43 = arith.addi %mul3A_41, %add3A_42 : i32
    %jit3A_44 = arith.constant 4 : i32
    %div3A_45 = arith.divsi %add3A_43, %jit3A_44 : i32
    %sign3A_46 = arith.constant 0 : i32
    %sign3A_47 = arith.cmpi sgt, %add3A_43, %sign3A_46 : i32
    %sign3A_48 = arith.extui %sign3A_47 : i1 to i32
    %sign3A_49 = arith.constant 0 : i32
    %sign3A_50 = arith.cmpi slt, %add3A_43, %sign3A_49 : i32
    %sign3A_51 = arith.extui %sign3A_50 : i1 to i32
    %sign3A_52 = arith.subi %sign3A_48, %sign3A_51 : i32
    %sign3A_53 = arith.constant 0 : i32
    %sign3A_54 = arith.cmpi sgt, %jit3A_44, %sign3A_53 : i32
    %sign3A_55 = arith.extui %sign3A_54 : i1 to i32
    %sign3A_56 = arith.constant 0 : i32
    %sign3A_57 = arith.cmpi slt, %jit3A_44, %sign3A_56 : i32
    %sign3A_58 = arith.extui %sign3A_57 : i1 to i32
    %sign3A_59 = arith.subi %sign3A_55, %sign3A_58 : i32
    %ne3A_60 = arith.cmpi ne, %sign3A_52, %sign3A_59 : i32
    %rem3A_61 = arith.remsi %add3A_43, %jit3A_44 : i32
    %ne3A_62 = arith.constant 0 : i32
    %ne3A_63 = arith.cmpi ne, %rem3A_61, %ne3A_62 : i32
    %and3A_64 = arith.andi %ne3A_60, %ne3A_63 : i1
    %sub3A_65 = arith.constant 1 : i32
    %sub3A_66 = arith.subi %div3A_45, %sub3A_65 : i32
    %select_n3A_67 = arith.select %and3A_64, %sub3A_66, %div3A_45 : i32
    %mul3A_68 = arith.constant 4 : i32
    %mul3A_69 = arith.muli %select_n3A_67, %mul3A_68 : i32
    %rem3A_70 = arith.constant 4 : i32
    %rem3A_71 = arith.remsi %add3A_43, %rem3A_70 : i32
    %mul3A_72 = arith.constant 192 : i32
    %mul3A_73 = arith.muli %rem3A_71, %mul3A_72 : i32
    %dma_start3A_74 = arith.constant 1 : i32
    %dma_start3A_75 = arith.constant 1 : i32
    %dma_start3A_76 = tpu.memref_slice %arg5[%dma_start3A_75] : memref<4x!tpu.dma_semaphore, #tpu.memory_space<semaphore_mem>> -> memref<1x!tpu.dma_semaphore, #tpu.memory_space<semaphore_mem>>
    %dma_start3A_77 = tpu.memref_squeeze %dma_start3A_76 : memref<1x!tpu.dma_semaphore, #tpu.memory_space<semaphore_mem>> -> memref<!tpu.dma_semaphore, #tpu.memory_space<semaphore_mem>>
    %dma_start3A_78 = arith.constant 0 : i32
    %dma_start3A_79 = arith.constant 0 : i32
    %dma_start3A_80 = arith.constant 0 : i32
    %dma_start3A_81 = tpu.memref_slice %arg3[%dma_start3A_74, %dma_start3A_78, %dma_start3A_79, %dma_start3A_80] : memref<4x4x192x1024xf32, #tpu.memory_space<vmem>> -> memref<1x4x192x1024xf32, #tpu.memory_space<vmem>>
    %dma_start3A_82 = tpu.memref_squeeze %dma_start3A_81 : memref<1x4x192x1024xf32, #tpu.memory_space<vmem>> -> memref<4x192x1024xf32, #tpu.memory_space<vmem>>
    %dma_start3A_83 = arith.constant 0 : i32
    %dma_start3A_84 = tpu.memref_slice %arg1[%mul3A_69, %mul3A_73, %dma_start3A_83] : memref<32x768x1024xf32, #tpu.memory_space<hbm>> -> memref<4x192x1024xf32, #tpu.memory_space<hbm>>
    tpu.enqueue_dma source(%dma_start3A_84 : memref<4x192x1024xf32, #tpu.memory_space<hbm>>) target(%dma_start3A_82 : memref<4x192x1024xf32, #tpu.memory_space<vmem>>) target_semaphore(%dma_start3A_77 : memref<!tpu.dma_semaphore, #tpu.memory_space<semaphore_mem>>) {priority = 1 : i32}
    %rem3A_85 = arith.constant 2 : i32
    %rem3A_86 = arith.constant 4 : i32
    %rem3A_87 = arith.remsi %rem3A_85, %rem3A_86 : i32
    %mul3A_88 = arith.constant 8 : i32
    %mul3A_89 = arith.muli %rem3A_87, %mul3A_88 : i32
    %add3A_90 = arith.constant 0 : i32
    %add3A_91 = arith.addi %mul3A_89, %add3A_90 : i32
    %jit3A_92 = arith.constant 4 : i32
    %div3A_93 = arith.divsi %add3A_91, %jit3A_92 : i32
    %sign3A_94 = arith.constant 0 : i32
    %sign3A_95 = arith.cmpi sgt, %add3A_91, %sign3A_94 : i32
    %sign3A_96 = arith.extui %sign3A_95 : i1 to i32
    %sign3A_97 = arith.constant 0 : i32
    %sign3A_98 = arith.cmpi slt, %add3A_91, %sign3A_97 : i32
    %sign3A_99 = arith.extui %sign3A_98 : i1 to i32
    %sign3A_100 = arith.subi %sign3A_96, %sign3A_99 : i32
    %sign3A_101 = arith.constant 0 : i32
    %sign3A_102 = arith.cmpi sgt, %jit3A_92, %sign3A_101 : i32
    %sign3A_103 = arith.extui %sign3A_102 : i1 to i32
    %sign3A_104 = arith.constant 0 : i32
    %sign3A_105 = arith.cmpi slt, %jit3A_92, %sign3A_104 : i32
    %sign3A_106 = arith.extui %sign3A_105 : i1 to i32
    %sign3A_107 = arith.subi %sign3A_103, %sign3A_106 : i32
    %ne3A_108 = arith.cmpi ne, %sign3A_100, %sign3A_107 : i32
    %rem3A_109 = arith.remsi %add3A_91, %jit3A_92 : i32
    %ne3A_110 = arith.constant 0 : i32
    %ne3A_111 = arith.cmpi ne, %rem3A_109, %ne3A_110 : i32
    %and3A_112 = arith.andi %ne3A_108, %ne3A_111 : i1
    %sub3A_113 = arith.constant 1 : i32
    %sub3A_114 = arith.subi %div3A_93, %sub3A_113 : i32
    %select_n3A_115 = arith.select %and3A_112, %sub3A_114, %div3A_93 : i32
    %mul3A_116 = arith.constant 4 : i32
    %mul3A_117 = arith.muli %select_n3A_115, %mul3A_116 : i32
    %rem3A_118 = arith.constant 4 : i32
    %rem3A_119 = arith.remsi %add3A_91, %rem3A_118 : i32
    %mul3A_120 = arith.constant 192 : i32
    %mul3A_121 = arith.muli %rem3A_119, %mul3A_120 : i32
    %dma_start3A_122 = arith.constant 2 : i32
    %dma_start3A_123 = arith.constant 2 : i32
    %dma_start3A_124 = tpu.memref_slice %arg5[%dma_start3A_123] : memref<4x!tpu.dma_semaphore, #tpu.memory_space<semaphore_mem>> -> memref<1x!tpu.dma_semaphore, #tpu.memory_space<semaphore_mem>>
    %dma_start3A_125 = tpu.memref_squeeze %dma_start3A_124 : memref<1x!tpu.dma_semaphore, #tpu.memory_space<semaphore_mem>> -> memref<!tpu.dma_semaphore, #tpu.memory_space<semaphore_mem>>
    %dma_start3A_126 = arith.constant 0 : i32
    %dma_start3A_127 = arith.constant 0 : i32
    %dma_start3A_128 = arith.constant 0 : i32
    %dma_start3A_129 = tpu.memref_slice %arg3[%dma_start3A_122, %dma_start3A_126, %dma_start3A_127, %dma_start3A_128] : memref<4x4x192x1024xf32, #tpu.memory_space<vmem>> -> memref<1x4x192x1024xf32, #tpu.memory_space<vmem>>
    %dma_start3A_130 = tpu.memref_squeeze %dma_start3A_129 : memref<1x4x192x1024xf32, #tpu.memory_space<vmem>> -> memref<4x192x1024xf32, #tpu.memory_space<vmem>>
    %dma_start3A_131 = arith.constant 0 : i32
    %dma_start3A_132 = tpu.memref_slice %arg1[%mul3A_117, %mul3A_121, %dma_start3A_131] : memref<32x768x1024xf32, #tpu.memory_space<hbm>> -> memref<4x192x1024xf32, #tpu.memory_space<hbm>>
    tpu.enqueue_dma source(%dma_start3A_132 : memref<4x192x1024xf32, #tpu.memory_space<hbm>>) target(%dma_start3A_130 : memref<4x192x1024xf32, #tpu.memory_space<vmem>>) target_semaphore(%dma_start3A_125 : memref<!tpu.dma_semaphore, #tpu.memory_space<semaphore_mem>>)
    %rem3A_133 = arith.constant 3 : i32
    %rem3A_134 = arith.constant 4 : i32
    %rem3A_135 = arith.remsi %rem3A_133, %rem3A_134 : i32
    %mul3A_136 = arith.constant 8 : i32
    %mul3A_137 = arith.muli %rem3A_135, %mul3A_136 : i32
    %add3A_138 = arith.constant 0 : i32
    %add3A_139 = arith.addi %mul3A_137, %add3A_138 : i32
    %jit3A_140 = arith.constant 4 : i32
    %div3A_141 = arith.divsi %add3A_139, %jit3A_140 : i32
    %sign3A_142 = arith.constant 0 : i32
    %sign3A_143 = arith.cmpi sgt, %add3A_139, %sign3A_142 : i32
    %sign3A_144 = arith.extui %sign3A_143 : i1 to i32
    %sign3A_145 = arith.constant 0 : i32
    %sign3A_146 = arith.cmpi slt, %add3A_139, %sign3A_145 : i32
    %sign3A_147 = arith.extui %sign3A_146 : i1 to i32
    %sign3A_148 = arith.subi %sign3A_144, %sign3A_147 : i32
    %sign3A_149 = arith.constant 0 : i32
    %sign3A_150 = arith.cmpi sgt, %jit3A_140, %sign3A_149 : i32
    %sign3A_151 = arith.extui %sign3A_150 : i1 to i32
    %sign3A_152 = arith.constant 0 : i32
    %sign3A_153 = arith.cmpi slt, %jit3A_140, %sign3A_152 : i32
    %sign3A_154 = arith.extui %sign3A_153 : i1 to i32
    %sign3A_155 = arith.subi %sign3A_151, %sign3A_154 : i32
    %ne3A_156 = arith.cmpi ne, %sign3A_148, %sign3A_155 : i32
    %rem3A_157 = arith.remsi %add3A_139, %jit3A_140 : i32
    %ne3A_158 = arith.constant 0 : i32
    %ne3A_159 = arith.cmpi ne, %rem3A_157, %ne3A_158 : i32
    %and3A_160 = arith.andi %ne3A_156, %ne3A_159 : i1
    %sub3A_161 = arith.constant 1 : i32
    %sub3A_162 = arith.subi %div3A_141, %sub3A_161 : i32
    %select_n3A_163 = arith.select %and3A_160, %sub3A_162, %div3A_141 : i32
    %mul3A_164 = arith.constant 4 : i32
    %mul3A_165 = arith.muli %select_n3A_163, %mul3A_164 : i32
    %rem3A_166 = arith.constant 4 : i32
    %rem3A_167 = arith.remsi %add3A_139, %rem3A_166 : i32
    %mul3A_168 = arith.constant 192 : i32
    %mul3A_169 = arith.muli %rem3A_167, %mul3A_168 : i32
    %dma_start3A_170 = arith.constant 3 : i32
    %dma_start3A_171 = arith.constant 3 : i32
    %dma_start3A_172 = tpu.memref_slice %arg5[%dma_start3A_171] : memref<4x!tpu.dma_semaphore, #tpu.memory_space<semaphore_mem>> -> memref<1x!tpu.dma_semaphore, #tpu.memory_space<semaphore_mem>>
    %dma_start3A_173 = tpu.memref_squeeze %dma_start3A_172 : memref<1x!tpu.dma_semaphore, #tpu.memory_space<semaphore_mem>> -> memref<!tpu.dma_semaphore, #tpu.memory_space<semaphore_mem>>
    %dma_start3A_174 = arith.constant 0 : i32
    %dma_start3A_175 = arith.constant 0 : i32
    %dma_start3A_176 = arith.constant 0 : i32
    %dma_start3A_177 = tpu.memref_slice %arg3[%dma_start3A_170, %dma_start3A_174, %dma_start3A_175, %dma_start3A_176] : memref<4x4x192x1024xf32, #tpu.memory_space<vmem>> -> memref<1x4x192x1024xf32, #tpu.memory_space<vmem>>
    %dma_start3A_178 = tpu.memref_squeeze %dma_start3A_177 : memref<1x4x192x1024xf32, #tpu.memory_space<vmem>> -> memref<4x192x1024xf32, #tpu.memory_space<vmem>>
    %dma_start3A_179 = arith.constant 0 : i32
    %dma_start3A_180 = tpu.memref_slice %arg1[%mul3A_165, %mul3A_169, %dma_start3A_179] : memref<32x768x1024xf32, #tpu.memory_space<hbm>> -> memref<4x192x1024xf32, #tpu.memory_space<hbm>>
    tpu.enqueue_dma source(%dma_start3A_180 : memref<4x192x1024xf32, #tpu.memory_space<hbm>>) target(%dma_start3A_178 : memref<4x192x1024xf32, #tpu.memory_space<vmem>>) target_semaphore(%dma_start3A_173 : memref<!tpu.dma_semaphore, #tpu.memory_space<semaphore_mem>>) {priority = 1 : i32}
    %scan3A = arith.constant 0 : i32
    %scan3A_181 = arith.constant 8 : i32
    %scan3A_182 = arith.addi %scan3A, %scan3A_181 : i32
    %scan3A_183 = arith.constant 1 : i32
    scf.for %scan3A_376 = %scan3A to %scan3A_182 step %scan3A_183  : i32 {
      %mul3A_377 = arith.constant 4 : i32
      %mul3A_378 = arith.muli %scan3A_376, %mul3A_377 : i32
      %add3A_379 = arith.constant 0 : i32
      %add3A_380 = arith.addi %mul3A_378, %add3A_379 : i32
      %rem3A_381 = arith.constant 4 : i32
      %rem3A_382 = arith.remsi %add3A_380, %rem3A_381 : i32
      %mul3A_383 = arith.constant 8 : i32
      %mul3A_384 = arith.muli %rem3A_382, %mul3A_383 : i32
      %jit3A_385 = arith.constant 4 : i32
      %div3A_386 = arith.divsi %add3A_380, %jit3A_385 : i32
      %sign3A_387 = arith.constant 0 : i32
      %sign3A_388 = arith.cmpi sgt, %add3A_380, %sign3A_387 : i32
      %sign3A_389 = arith.extui %sign3A_388 : i1 to i32
      %sign3A_390 = arith.constant 0 : i32
      %sign3A_391 = arith.cmpi slt, %add3A_380, %sign3A_390 : i32
      %sign3A_392 = arith.extui %sign3A_391 : i1 to i32
      %sign3A_393 = arith.subi %sign3A_389, %sign3A_392 : i32
      %sign3A_394 = arith.constant 0 : i32
      %sign3A_395 = arith.cmpi sgt, %jit3A_385, %sign3A_394 : i32
      %sign3A_396 = arith.extui %sign3A_395 : i1 to i32
      %sign3A_397 = arith.constant 0 : i32
      %sign3A_398 = arith.cmpi slt, %jit3A_385, %sign3A_397 : i32
      %sign3A_399 = arith.extui %sign3A_398 : i1 to i32
      %sign3A_400 = arith.subi %sign3A_396, %sign3A_399 : i32
      %ne3A_401 = arith.cmpi ne, %sign3A_393, %sign3A_400 : i32
      %rem3A_402 = arith.remsi %add3A_380, %jit3A_385 : i32
      %ne3A_403 = arith.constant 0 : i32
      %ne3A_404 = arith.cmpi ne, %rem3A_402, %ne3A_403 : i32
      %and3A_405 = arith.andi %ne3A_401, %ne3A_404 : i1
      %sub3A_406 = arith.constant 1 : i32
      %sub3A_407 = arith.subi %div3A_386, %sub3A_406 : i32
      %select_n3A_408 = arith.select %and3A_405, %sub3A_407, %div3A_386 : i32
      %add3A_409 = arith.addi %mul3A_384, %select_n3A_408 : i32
      %jit3A_410 = arith.constant 4 : i32
      %div3A_411 = arith.divsi %add3A_409, %jit3A_410 : i32
      %sign3A_412 = arith.constant 0 : i32
      %sign3A_413 = arith.cmpi sgt, %add3A_409, %sign3A_412 : i32
      %sign3A_414 = arith.extui %sign3A_413 : i1 to i32
      %sign3A_415 = arith.constant 0 : i32
      %sign3A_416 = arith.cmpi slt, %add3A_409, %sign3A_415 : i32
      %sign3A_417 = arith.extui %sign3A_416 : i1 to i32
      %sign3A_418 = arith.subi %sign3A_414, %sign3A_417 : i32
      %sign3A_419 = arith.constant 0 : i32
      %sign3A_420 = arith.cmpi sgt, %jit3A_410, %sign3A_419 : i32
      %sign3A_421 = arith.extui %sign3A_420 : i1 to i32
      %sign3A_422 = arith.constant 0 : i32
      %sign3A_423 = arith.cmpi slt, %jit3A_410, %sign3A_422 : i32
      %sign3A_424 = arith.extui %sign3A_423 : i1 to i32
      %sign3A_425 = arith.subi %sign3A_421, %sign3A_424 : i32
      %ne3A_426 = arith.cmpi ne, %sign3A_418, %sign3A_425 : i32
      %rem3A_427 = arith.remsi %add3A_409, %jit3A_410 : i32
      %ne3A_428 = arith.constant 0 : i32
      %ne3A_429 = arith.cmpi ne, %rem3A_427, %ne3A_428 : i32
      %and3A_430 = arith.andi %ne3A_426, %ne3A_429 : i1
      %sub3A_431 = arith.constant 1 : i32
      %sub3A_432 = arith.subi %div3A_411, %sub3A_431 : i32
      %select_n3A_433 = arith.select %and3A_430, %sub3A_432, %div3A_411 : i32
      %mul3A_434 = arith.constant 4 : i32
      %mul3A_435 = arith.muli %select_n3A_433, %mul3A_434 : i32
      %rem3A_436 = arith.constant 4 : i32
      %rem3A_437 = arith.remsi %add3A_409, %rem3A_436 : i32
      %mul3A_438 = arith.constant 192 : i32
      %mul3A_439 = arith.muli %rem3A_437, %mul3A_438 : i32
      %jit3A_440 = arith.constant 4 : i32
      %div3A_441 = arith.divsi %add3A_409, %jit3A_440 : i32
      %sign3A_442 = arith.constant 0 : i32
      %sign3A_443 = arith.cmpi sgt, %add3A_409, %sign3A_442 : i32
      %sign3A_444 = arith.extui %sign3A_443 : i1 to i32
      %sign3A_445 = arith.constant 0 : i32
      %sign3A_446 = arith.cmpi slt, %add3A_409, %sign3A_445 : i32
      %sign3A_447 = arith.extui %sign3A_446 : i1 to i32
      %sign3A_448 = arith.subi %sign3A_444, %sign3A_447 : i32
      %sign3A_449 = arith.constant 0 : i32
      %sign3A_450 = arith.cmpi sgt, %jit3A_440, %sign3A_449 : i32
      %sign3A_451 = arith.extui %sign3A_450 : i1 to i32
      %sign3A_452 = arith.constant 0 : i32
      %sign3A_453 = arith.cmpi slt, %jit3A_440, %sign3A_452 : i32
      %sign3A_454 = arith.extui %sign3A_453 : i1 to i32
      %sign3A_455 = arith.subi %sign3A_451, %sign3A_454 : i32
      %ne3A_456 = arith.cmpi ne, %sign3A_448, %sign3A_455 : i32
      %rem3A_457 = arith.remsi %add3A_409, %jit3A_440 : i32
      %ne3A_458 = arith.constant 0 : i32
      %ne3A_459 = arith.cmpi ne, %rem3A_457, %ne3A_458 : i32
      %and3A_460 = arith.andi %ne3A_456, %ne3A_459 : i1
      %sub3A_461 = arith.constant 1 : i32
      %sub3A_462 = arith.subi %div3A_441, %sub3A_461 : i32
      %select_n3A_463 = arith.select %and3A_460, %sub3A_462, %div3A_441 : i32
      %mul3A_464 = arith.constant 4 : i32
      %mul3A_465 = arith.muli %select_n3A_463, %mul3A_464 : i32
      %rem3A_466 = arith.constant 4 : i32
      %rem3A_467 = arith.remsi %add3A_409, %rem3A_466 : i32
      %mul3A_468 = arith.constant 192 : i32
      %mul3A_469 = arith.muli %rem3A_467, %mul3A_468 : i32
      %dma_wait3A_470 = arith.constant 0 : i32
      %dma_wait3A_471 = arith.constant 0 : i32
      %dma_wait3A_472 = tpu.memref_slice %arg5[%dma_wait3A_471] : memref<4x!tpu.dma_semaphore, #tpu.memory_space<semaphore_mem>> -> memref<1x!tpu.dma_semaphore, #tpu.memory_space<semaphore_mem>>
      %dma_wait3A_473 = tpu.memref_squeeze %dma_wait3A_472 : memref<1x!tpu.dma_semaphore, #tpu.memory_space<semaphore_mem>> -> memref<!tpu.dma_semaphore, #tpu.memory_space<semaphore_mem>>
      %dma_wait3A_474 = arith.constant 0 : i32
      %dma_wait3A_475 = arith.constant 0 : i32
      %dma_wait3A_476 = arith.constant 0 : i32
      %dma_wait3A_477 = tpu.memref_slice %arg3[%dma_wait3A_470, %dma_wait3A_474, %dma_wait3A_475, %dma_wait3A_476] : memref<4x4x192x1024xf32, #tpu.memory_space<vmem>> -> memref<1x4x192x1024xf32, #tpu.memory_space<vmem>>
      %dma_wait3A_478 = tpu.memref_squeeze %dma_wait3A_477 : memref<1x4x192x1024xf32, #tpu.memory_space<vmem>> -> memref<4x192x1024xf32, #tpu.memory_space<vmem>>
      %dma_wait3A_479 = arith.constant 0 : i32
      %dma_wait3A_480 = tpu.memref_slice %arg1[%mul3A_465, %mul3A_469, %dma_wait3A_479] : memref<32x768x1024xf32, #tpu.memory_space<hbm>> -> memref<4x192x1024xf32, #tpu.memory_space<hbm>>
      tpu.wait_dma2 semaphore(%dma_wait3A_473 : memref<!tpu.dma_semaphore, #tpu.memory_space<semaphore_mem>>) src(%dma_wait3A_480 : memref<4x192x1024xf32, #tpu.memory_space<hbm>>) dst(%dma_wait3A_478 : memref<4x192x1024xf32, #tpu.memory_space<vmem>>)
      %gt3A = arith.constant 0 : i32
      %gt3A_481 = arith.cmpi sgt, %scan3A_376, %gt3A : i32
      %convert_element_type3A = arith.extui %gt3A_481 : i1 to i32
      %cond3A = arith.constant 0 : i32
      %cond3A_482 = arith.cmpi ne, %convert_element_type3A, %cond3A : i32
      scf.if %cond3A_482 {
        %sub3A_1123 = arith.constant 4 : i32
        %sub3A_1124 = arith.subi %add3A_380, %sub3A_1123 : i32
        %rem3A_1125 = arith.constant 4 : i32
        %rem3A_1126 = arith.remsi %sub3A_1124, %rem3A_1125 : i32
        %mul3A_1127 = arith.constant 8 : i32
        %mul3A_1128 = arith.muli %rem3A_1126, %mul3A_1127 : i32
        %jit3A_1129 = arith.constant 4 : i32
        %div3A_1130 = arith.divsi %sub3A_1124, %jit3A_1129 : i32
        %sign3A_1131 = arith.constant 0 : i32
        %sign3A_1132 = arith.cmpi sgt, %sub3A_1124, %sign3A_1131 : i32
        %sign3A_1133 = arith.extui %sign3A_1132 : i1 to i32
        %sign3A_1134 = arith.constant 0 : i32
        %sign3A_1135 = arith.cmpi slt, %sub3A_1124, %sign3A_1134 : i32
        %sign3A_1136 = arith.extui %sign3A_1135 : i1 to i32
        %sign3A_1137 = arith.subi %sign3A_1133, %sign3A_1136 : i32
        %sign3A_1138 = arith.constant 0 : i32
        %sign3A_1139 = arith.cmpi sgt, %jit3A_1129, %sign3A_1138 : i32
        %sign3A_1140 = arith.extui %sign3A_1139 : i1 to i32
        %sign3A_1141 = arith.constant 0 : i32
        %sign3A_1142 = arith.cmpi slt, %jit3A_1129, %sign3A_1141 : i32
        %sign3A_1143 = arith.extui %sign3A_1142 : i1 to i32
        %sign3A_1144 = arith.subi %sign3A_1140, %sign3A_1143 : i32
        %ne3A_1145 = arith.cmpi ne, %sign3A_1137, %sign3A_1144 : i32
        %rem3A_1146 = arith.remsi %sub3A_1124, %jit3A_1129 : i32
        %ne3A_1147 = arith.constant 0 : i32
        %ne3A_1148 = arith.cmpi ne, %rem3A_1146, %ne3A_1147 : i32
        %and3A_1149 = arith.andi %ne3A_1145, %ne3A_1148 : i1
        %sub3A_1150 = arith.constant 1 : i32
        %sub3A_1151 = arith.subi %div3A_1130, %sub3A_1150 : i32
        %select_n3A_1152 = arith.select %and3A_1149, %sub3A_1151, %div3A_1130 : i32
        %add3A_1153 = arith.addi %mul3A_1128, %select_n3A_1152 : i32
        %jit3A_1154 = arith.constant 4 : i32
        %div3A_1155 = arith.divsi %add3A_1153, %jit3A_1154 : i32
        %sign3A_1156 = arith.constant 0 : i32
        %sign3A_1157 = arith.cmpi sgt, %add3A_1153, %sign3A_1156 : i32
        %sign3A_1158 = arith.extui %sign3A_1157 : i1 to i32
        %sign3A_1159 = arith.constant 0 : i32
        %sign3A_1160 = arith.cmpi slt, %add3A_1153, %sign3A_1159 : i32
        %sign3A_1161 = arith.extui %sign3A_1160 : i1 to i32
        %sign3A_1162 = arith.subi %sign3A_1158, %sign3A_1161 : i32
        %sign3A_1163 = arith.constant 0 : i32
        %sign3A_1164 = arith.cmpi sgt, %jit3A_1154, %sign3A_1163 : i32
        %sign3A_1165 = arith.extui %sign3A_1164 : i1 to i32
        %sign3A_1166 = arith.constant 0 : i32
        %sign3A_1167 = arith.cmpi slt, %jit3A_1154, %sign3A_1166 : i32
        %sign3A_1168 = arith.extui %sign3A_1167 : i1 to i32
        %sign3A_1169 = arith.subi %sign3A_1165, %sign3A_1168 : i32
        %ne3A_1170 = arith.cmpi ne, %sign3A_1162, %sign3A_1169 : i32
        %rem3A_1171 = arith.remsi %add3A_1153, %jit3A_1154 : i32
        %ne3A_1172 = arith.constant 0 : i32
        %ne3A_1173 = arith.cmpi ne, %rem3A_1171, %ne3A_1172 : i32
        %and3A_1174 = arith.andi %ne3A_1170, %ne3A_1173 : i1
        %sub3A_1175 = arith.constant 1 : i32
        %sub3A_1176 = arith.subi %div3A_1155, %sub3A_1175 : i32
        %select_n3A_1177 = arith.select %and3A_1174, %sub3A_1176, %div3A_1155 : i32
        %mul3A_1178 = arith.constant 4 : i32
        %mul3A_1179 = arith.muli %select_n3A_1177, %mul3A_1178 : i32
        %rem3A_1180 = arith.constant 4 : i32
        %rem3A_1181 = arith.remsi %add3A_1153, %rem3A_1180 : i32
        %mul3A_1182 = arith.constant 192 : i32
        %mul3A_1183 = arith.muli %rem3A_1181, %mul3A_1182 : i32
        %dma_wait3A_1184 = arith.constant 0 : i32
        %dma_wait3A_1185 = arith.constant 0 : i32
        %dma_wait3A_1186 = tpu.memref_slice %arg6[%dma_wait3A_1185] : memref<4x!tpu.dma_semaphore, #tpu.memory_space<semaphore_mem>> -> memref<1x!tpu.dma_semaphore, #tpu.memory_space<semaphore_mem>>
        %dma_wait3A_1187 = tpu.memref_squeeze %dma_wait3A_1186 : memref<1x!tpu.dma_semaphore, #tpu.memory_space<semaphore_mem>> -> memref<!tpu.dma_semaphore, #tpu.memory_space<semaphore_mem>>
        %dma_wait3A_1188 = arith.constant 0 : i32
        %dma_wait3A_1189 = tpu.memref_slice %arg2[%mul3A_1179, %mul3A_1183, %dma_wait3A_1188] : memref<32x768x1024xf32, #tpu.memory_space<hbm>> -> memref<4x192x1024xf32, #tpu.memory_space<hbm>>
        %dma_wait3A_1190 = arith.constant 0 : i32
        %dma_wait3A_1191 = arith.constant 0 : i32
        %dma_wait3A_1192 = arith.constant 0 : i32
        %dma_wait3A_1193 = tpu.memref_slice %arg4[%dma_wait3A_1184, %dma_wait3A_1190, %dma_wait3A_1191, %dma_wait3A_1192] : memref<4x4x192x1024xf32, #tpu.memory_space<vmem>> -> memref<1x4x192x1024xf32, #tpu.memory_space<vmem>>
        %dma_wait3A_1194 = tpu.memref_squeeze %dma_wait3A_1193 : memref<1x4x192x1024xf32, #tpu.memory_space<vmem>> -> memref<4x192x1024xf32, #tpu.memory_space<vmem>>
        tpu.wait_dma2 semaphore(%dma_wait3A_1187 : memref<!tpu.dma_semaphore, #tpu.memory_space<semaphore_mem>>) src(%dma_wait3A_1194 : memref<4x192x1024xf32, #tpu.memory_space<vmem>>) dst(%dma_wait3A_1189 : memref<4x192x1024xf32, #tpu.memory_space<hbm>>)
      } else {
      }
      %get3A = arith.index_cast %mul3A_439 : i32 to index
      %get3A_483 = arith.constant 0 : index
      %get3A_484 = vector.load %arg0[%get3A, %get3A_483] : memref<768x32xf32, #tpu.memory_space<vmem>>, vector<192x32xf32>
      %iota3A = tpu.iota {dimensions = array<i32: 2>} : vector<4x192x32xi32>
      %iota3A_485 = tpu.iota {dimensions = array<i32: 0>} : vector<4x192x32xi32>
      %add3A_486 = vector.broadcast %mul3A_435 : i32 to vector<4x192x32xi32>
      %add3A_487 = arith.addi %iota3A_485, %add3A_486 : vector<4x192x32xi32>
      %eq3A = arith.cmpi eq, %iota3A, %add3A_487 : vector<4x192x32xi32>
      %broadcast_in_dim3A = vector.shape_cast %get3A_484 : vector<192x32xf32> to vector<1x192x32xf32>
      %jit3A_488 = arith.constant 0.000000e+00 : f32
      %broadcast_in_dim3A_489 = vector.shape_cast %broadcast_in_dim3A : vector<1x192x32xf32> to vector<1x192x32xf32>
      %broadcast_in_dim3A_490 = vector.broadcast %broadcast_in_dim3A_489 : vector<1x192x32xf32> to vector<4x192x32xf32>
      %broadcast_in_dim3A_491 = vector.broadcast %jit3A_488 : f32 to vector<4x192x32xf32>
      %select_n3A_492 = arith.select %eq3A, %broadcast_in_dim3A_490, %broadcast_in_dim3A_491 : vector<4x192x32xi1>, vector<4x192x32xf32>
      %reduce_sum3A = arith.constant dense<0.000000e+00> : vector<4x192xf32>
      %reduce_sum3A_493 = vector.multi_reduction <add>, %select_n3A_492, %reduce_sum3A [2] : vector<4x192x32xf32> to vector<4x192xf32>
      %broadcast_in_dim3A_494 = vector.shape_cast %reduce_sum3A_493 : vector<4x192xf32> to vector<4x192x1xf32>
      %get3A_495 = arith.constant 0 : index
      %get3A_496 = arith.constant 0 : index
      %get3A_497 = arith.constant 0 : index
      %get3A_498 = arith.constant 0 : index
      %get3A_499 = vector.load %arg3[%get3A_495, %get3A_496, %get3A_497, %get3A_498] : memref<4x4x192x1024xf32, #tpu.memory_space<vmem>>, vector<1x4x192x1024xf32>
      %get3A_500 = vector.shape_cast %get3A_499 : vector<1x4x192x1024xf32> to vector<4x192x1024xf32>
      %add3A_501 = vector.broadcast %broadcast_in_dim3A_494 : vector<4x192x1xf32> to vector<4x192x1024xf32>
      %add3A_502 = arith.addf %get3A_500, %add3A_501 : vector<4x192x1024xf32>
      %swap3A = arith.constant 0 : index
      %swap3A_503 = arith.constant 0 : index
      %swap3A_504 = arith.constant 0 : index
      %swap3A_505 = arith.constant 0 : index
      %swap3A_506 = vector.load %arg4[%swap3A, %swap3A_503, %swap3A_504, %swap3A_505] : memref<4x4x192x1024xf32, #tpu.memory_space<vmem>>, vector<1x4x192x1024xf32>
      %swap3A_507 = vector.shape_cast %swap3A_506 : vector<1x4x192x1024xf32> to vector<4x192x1024xf32>
      %swap3A_508 = vector.shape_cast %add3A_502 : vector<4x192x1024xf32> to vector<1x4x192x1024xf32>
      tpu.vector_store %arg4[%swap3A, %swap3A_503, %swap3A_504, %swap3A_505], %swap3A_508 {strides = array<i32>} : memref<4x4x192x1024xf32, #tpu.memory_space<vmem>>, vector<1x4x192x1024xf32>,
      %jit3A_509 = arith.constant 4 : i32
      %div3A_510 = arith.divsi %add3A_409, %jit3A_509 : i32
      %sign3A_511 = arith.constant 0 : i32
      %sign3A_512 = arith.cmpi sgt, %add3A_409, %sign3A_511 : i32
      %sign3A_513 = arith.extui %sign3A_512 : i1 to i32
      %sign3A_514 = arith.constant 0 : i32
      %sign3A_515 = arith.cmpi slt, %add3A_409, %sign3A_514 : i32
      %sign3A_516 = arith.extui %sign3A_515 : i1 to i32
      %sign3A_517 = arith.subi %sign3A_513, %sign3A_516 : i32
      %sign3A_518 = arith.constant 0 : i32
      %sign3A_519 = arith.cmpi sgt, %jit3A_509, %sign3A_518 : i32
      %sign3A_520 = arith.extui %sign3A_519 : i1 to i32
      %sign3A_521 = arith.constant 0 : i32
      %sign3A_522 = arith.cmpi slt, %jit3A_509, %sign3A_521 : i32
      %sign3A_523 = arith.extui %sign3A_522 : i1 to i32
      %sign3A_524 = arith.subi %sign3A_520, %sign3A_523 : i32
      %ne3A_525 = arith.cmpi ne, %sign3A_517, %sign3A_524 : i32
      %rem3A_526 = arith.remsi %add3A_409, %jit3A_509 : i32
      %ne3A_527 = arith.constant 0 : i32
      %ne3A_528 = arith.cmpi ne, %rem3A_526, %ne3A_527 : i32
      %and3A_529 = arith.andi %ne3A_525, %ne3A_528 : i1
      %sub3A_530 = arith.constant 1 : i32
      %sub3A_531 = arith.subi %div3A_510, %sub3A_530 : i32
      %select_n3A_532 = arith.select %and3A_529, %sub3A_531, %div3A_510 : i32
      %mul3A_533 = arith.constant 4 : i32
      %mul3A_534 = arith.muli %select_n3A_532, %mul3A_533 : i32
      %rem3A_535 = arith.constant 4 : i32
      %rem3A_536 = arith.remsi %add3A_409, %rem3A_535 : i32
      %mul3A_537 = arith.constant 192 : i32
      %mul3A_538 = arith.muli %rem3A_536, %mul3A_537 : i32
      %dma_start3A_539 = arith.constant 0 : i32
      %dma_start3A_540 = arith.constant 0 : i32
      %dma_start3A_541 = tpu.memref_slice %arg6[%dma_start3A_540] : memref<4x!tpu.dma_semaphore, #tpu.memory_space<semaphore_mem>> -> memref<1x!tpu.dma_semaphore, #tpu.memory_space<semaphore_mem>>
      %dma_start3A_542 = tpu.memref_squeeze %dma_start3A_541 : memref<1x!tpu.dma_semaphore, #tpu.memory_space<semaphore_mem>> -> memref<!tpu.dma_semaphore, #tpu.memory_space<semaphore_mem>>
      %dma_start3A_543 = arith.constant 0 : i32
      %dma_start3A_544 = tpu.memref_slice %arg2[%mul3A_534, %mul3A_538, %dma_start3A_543] : memref<32x768x1024xf32, #tpu.memory_space<hbm>> -> memref<4x192x1024xf32, #tpu.memory_space<hbm>>
      %dma_start3A_545 = arith.constant 0 : i32
      %dma_start3A_546 = arith.constant 0 : i32
      %dma_start3A_547 = arith.constant 0 : i32
      %dma_start3A_548 = tpu.memref_slice %arg4[%dma_start3A_539, %dma_start3A_545, %dma_start3A_546, %dma_start3A_547] : memref<4x4x192x1024xf32, #tpu.memory_space<vmem>> -> memref<1x4x192x1024xf32, #tpu.memory_space<vmem>>
      %dma_start3A_549 = tpu.memref_squeeze %dma_start3A_548 : memref<1x4x192x1024xf32, #tpu.memory_space<vmem>> -> memref<4x192x1024xf32, #tpu.memory_space<vmem>>
      tpu.enqueue_dma source(%dma_start3A_549 : memref<4x192x1024xf32, #tpu.memory_space<vmem>>) target(%dma_start3A_544 : memref<4x192x1024xf32, #tpu.memory_space<hbm>>) target_semaphore(%dma_start3A_542 : memref<!tpu.dma_semaphore, #tpu.memory_space<semaphore_mem>>)
      %add3A_550 = arith.constant 4 : i32
      %add3A_551 = arith.addi %add3A_380, %add3A_550 : i32
      %lt3A = arith.constant 32 : i32
      %lt3A_552 = arith.cmpi slt, %add3A_551, %lt3A : i32
      %convert_element_type3A_553 = arith.extui %lt3A_552 : i1 to i32
      %cond3A_554 = arith.constant 0 : i32
      %cond3A_555 = arith.cmpi ne, %convert_element_type3A_553, %cond3A_554 : i32
      scf.if %cond3A_555 {
        %add3A_1123 = arith.constant 4 : i32
        %add3A_1124 = arith.addi %add3A_380, %add3A_1123 : i32
        %rem3A_1125 = arith.constant 4 : i32
        %rem3A_1126 = arith.remsi %add3A_1124, %rem3A_1125 : i32
        %mul3A_1127 = arith.constant 8 : i32
        %mul3A_1128 = arith.muli %rem3A_1126, %mul3A_1127 : i32
        %jit3A_1129 = arith.constant 4 : i32
        %div3A_1130 = arith.divsi %add3A_1124, %jit3A_1129 : i32
        %sign3A_1131 = arith.constant 0 : i32
        %sign3A_1132 = arith.cmpi sgt, %add3A_1124, %sign3A_1131 : i32
        %sign3A_1133 = arith.extui %sign3A_1132 : i1 to i32
        %sign3A_1134 = arith.constant 0 : i32
        %sign3A_1135 = arith.cmpi slt, %add3A_1124, %sign3A_1134 : i32
        %sign3A_1136 = arith.extui %sign3A_1135 : i1 to i32
        %sign3A_1137 = arith.subi %sign3A_1133, %sign3A_1136 : i32
        %sign3A_1138 = arith.constant 0 : i32
        %sign3A_1139 = arith.cmpi sgt, %jit3A_1129, %sign3A_1138 : i32
        %sign3A_1140 = arith.extui %sign3A_1139 : i1 to i32
        %sign3A_1141 = arith.constant 0 : i32
        %sign3A_1142 = arith.cmpi slt, %jit3A_1129, %sign3A_1141 : i32
        %sign3A_1143 = arith.extui %sign3A_1142 : i1 to i32
        %sign3A_1144 = arith.subi %sign3A_1140, %sign3A_1143 : i32
        %ne3A_1145 = arith.cmpi ne, %sign3A_1137, %sign3A_1144 : i32
        %rem3A_1146 = arith.remsi %add3A_1124, %jit3A_1129 : i32
        %ne3A_1147 = arith.constant 0 : i32
        %ne3A_1148 = arith.cmpi ne, %rem3A_1146, %ne3A_1147 : i32
        %and3A_1149 = arith.andi %ne3A_1145, %ne3A_1148 : i1
        %sub3A_1150 = arith.constant 1 : i32
        %sub3A_1151 = arith.subi %div3A_1130, %sub3A_1150 : i32
        %select_n3A_1152 = arith.select %and3A_1149, %sub3A_1151, %div3A_1130 : i32
        %add3A_1153 = arith.addi %mul3A_1128, %select_n3A_1152 : i32
        %jit3A_1154 = arith.constant 4 : i32
        %div3A_1155 = arith.divsi %add3A_1153, %jit3A_1154 : i32
        %sign3A_1156 = arith.constant 0 : i32
        %sign3A_1157 = arith.cmpi sgt, %add3A_1153, %sign3A_1156 : i32
        %sign3A_1158 = arith.extui %sign3A_1157 : i1 to i32
        %sign3A_1159 = arith.constant 0 : i32
        %sign3A_1160 = arith.cmpi slt, %add3A_1153, %sign3A_1159 : i32
        %sign3A_1161 = arith.extui %sign3A_1160 : i1 to i32
        %sign3A_1162 = arith.subi %sign3A_1158, %sign3A_1161 : i32
        %sign3A_1163 = arith.constant 0 : i32
        %sign3A_1164 = arith.cmpi sgt, %jit3A_1154, %sign3A_1163 : i32
        %sign3A_1165 = arith.extui %sign3A_1164 : i1 to i32
        %sign3A_1166 = arith.constant 0 : i32
        %sign3A_1167 = arith.cmpi slt, %jit3A_1154, %sign3A_1166 : i32
        %sign3A_1168 = arith.extui %sign3A_1167 : i1 to i32
        %sign3A_1169 = arith.subi %sign3A_1165, %sign3A_1168 : i32
        %ne3A_1170 = arith.cmpi ne, %sign3A_1162, %sign3A_1169 : i32
        %rem3A_1171 = arith.remsi %add3A_1153, %jit3A_1154 : i32
        %ne3A_1172 = arith.constant 0 : i32
        %ne3A_1173 = arith.cmpi ne, %rem3A_1171, %ne3A_1172 : i32
        %and3A_1174 = arith.andi %ne3A_1170, %ne3A_1173 : i1
        %sub3A_1175 = arith.constant 1 : i32
        %sub3A_1176 = arith.subi %div3A_1155, %sub3A_1175 : i32
        %select_n3A_1177 = arith.select %and3A_1174, %sub3A_1176, %div3A_1155 : i32
        %mul3A_1178 = arith.constant 4 : i32
        %mul3A_1179 = arith.muli %select_n3A_1177, %mul3A_1178 : i32
        %rem3A_1180 = arith.constant 4 : i32
        %rem3A_1181 = arith.remsi %add3A_1153, %rem3A_1180 : i32
        %mul3A_1182 = arith.constant 192 : i32
        %mul3A_1183 = arith.muli %rem3A_1181, %mul3A_1182 : i32
        %dma_start3A_1184 = arith.constant 0 : i32
        %dma_start3A_1185 = arith.constant 0 : i32
        %dma_start3A_1186 = tpu.memref_slice %arg5[%dma_start3A_1185] : memref<4x!tpu.dma_semaphore, #tpu.memory_space<semaphore_mem>> -> memref<1x!tpu.dma_semaphore, #tpu.memory_space<semaphore_mem>>
        %dma_start3A_1187 = tpu.memref_squeeze %dma_start3A_1186 : memref<1x!tpu.dma_semaphore, #tpu.memory_space<semaphore_mem>> -> memref<!tpu.dma_semaphore, #tpu.memory_space<semaphore_mem>>
        %dma_start3A_1188 = arith.constant 0 : i32
        %dma_start3A_1189 = arith.constant 0 : i32
        %dma_start3A_1190 = arith.constant 0 : i32
        %dma_start3A_1191 = tpu.memref_slice %arg3[%dma_start3A_1184, %dma_start3A_1188, %dma_start3A_1189, %dma_start3A_1190] : memref<4x4x192x1024xf32, #tpu.memory_space<vmem>> -> memref<1x4x192x1024xf32, #tpu.memory_space<vmem>>
        %dma_start3A_1192 = tpu.memref_squeeze %dma_start3A_1191 : memref<1x4x192x1024xf32, #tpu.memory_space<vmem>> -> memref<4x192x1024xf32, #tpu.memory_space<vmem>>
        %dma_start3A_1193 = arith.constant 0 : i32
        %dma_start3A_1194 = tpu.memref_slice %arg1[%mul3A_1179, %mul3A_1183, %dma_start3A_1193] : memref<32x768x1024xf32, #tpu.memory_space<hbm>> -> memref<4x192x1024xf32, #tpu.memory_space<hbm>>
        tpu.enqueue_dma source(%dma_start3A_1194 : memref<4x192x1024xf32, #tpu.memory_space<hbm>>) target(%dma_start3A_1192 : memref<4x192x1024xf32, #tpu.memory_space<vmem>>) target_semaphore(%dma_start3A_1187 : memref<!tpu.dma_semaphore, #tpu.memory_space<semaphore_mem>>)
      } else {
      }
      %mul3A_556 = arith.constant 4 : i32
      %mul3A_557 = arith.muli %scan3A_376, %mul3A_556 : i32
      %add3A_558 = arith.constant 1 : i32
      %add3A_559 = arith.addi %mul3A_557, %add3A_558 : i32
      %rem3A_560 = arith.constant 4 : i32
      %rem3A_561 = arith.remsi %add3A_559, %rem3A_560 : i32
      %mul3A_562 = arith.constant 8 : i32
      %mul3A_563 = arith.muli %rem3A_561, %mul3A_562 : i32
      %jit3A_564 = arith.constant 4 : i32
      %div3A_565 = arith.divsi %add3A_559, %jit3A_564 : i32
      %sign3A_566 = arith.constant 0 : i32
      %sign3A_567 = arith.cmpi sgt, %add3A_559, %sign3A_566 : i32
      %sign3A_568 = arith.extui %sign3A_567 : i1 to i32
      %sign3A_569 = arith.constant 0 : i32
      %sign3A_570 = arith.cmpi slt, %add3A_559, %sign3A_569 : i32
      %sign3A_571 = arith.extui %sign3A_570 : i1 to i32
      %sign3A_572 = arith.subi %sign3A_568, %sign3A_571 : i32
      %sign3A_573 = arith.constant 0 : i32
      %sign3A_574 = arith.cmpi sgt, %jit3A_564, %sign3A_573 : i32
      %sign3A_575 = arith.extui %sign3A_574 : i1 to i32
      %sign3A_576 = arith.constant 0 : i32
      %sign3A_577 = arith.cmpi slt, %jit3A_564, %sign3A_576 : i32
      %sign3A_578 = arith.extui %sign3A_577 : i1 to i32
      %sign3A_579 = arith.subi %sign3A_575, %sign3A_578 : i32
      %ne3A_580 = arith.cmpi ne, %sign3A_572, %sign3A_579 : i32
      %rem3A_581 = arith.remsi %add3A_559, %jit3A_564 : i32
      %ne3A_582 = arith.constant 0 : i32
      %ne3A_583 = arith.cmpi ne, %rem3A_581, %ne3A_582 : i32
      %and3A_584 = arith.andi %ne3A_580, %ne3A_583 : i1
      %sub3A_585 = arith.constant 1 : i32
      %sub3A_586 = arith.subi %div3A_565, %sub3A_585 : i32
      %select_n3A_587 = arith.select %and3A_584, %sub3A_586, %div3A_565 : i32
      %add3A_588 = arith.addi %mul3A_563, %select_n3A_587 : i32
      %jit3A_589 = arith.constant 4 : i32
      %div3A_590 = arith.divsi %add3A_588, %jit3A_589 : i32
      %sign3A_591 = arith.constant 0 : i32
      %sign3A_592 = arith.cmpi sgt, %add3A_588, %sign3A_591 : i32
      %sign3A_593 = arith.extui %sign3A_592 : i1 to i32
      %sign3A_594 = arith.constant 0 : i32
      %sign3A_595 = arith.cmpi slt, %add3A_588, %sign3A_594 : i32
      %sign3A_596 = arith.extui %sign3A_595 : i1 to i32
      %sign3A_597 = arith.subi %sign3A_593, %sign3A_596 : i32
      %sign3A_598 = arith.constant 0 : i32
      %sign3A_599 = arith.cmpi sgt, %jit3A_589, %sign3A_598 : i32
      %sign3A_600 = arith.extui %sign3A_599 : i1 to i32
      %sign3A_601 = arith.constant 0 : i32
      %sign3A_602 = arith.cmpi slt, %jit3A_589, %sign3A_601 : i32
      %sign3A_603 = arith.extui %sign3A_602 : i1 to i32
      %sign3A_604 = arith.subi %sign3A_600, %sign3A_603 : i32
      %ne3A_605 = arith.cmpi ne, %sign3A_597, %sign3A_604 : i32
      %rem3A_606 = arith.remsi %add3A_588, %jit3A_589 : i32
      %ne3A_607 = arith.constant 0 : i32
      %ne3A_608 = arith.cmpi ne, %rem3A_606, %ne3A_607 : i32
      %and3A_609 = arith.andi %ne3A_605, %ne3A_608 : i1
      %sub3A_610 = arith.constant 1 : i32
      %sub3A_611 = arith.subi %div3A_590, %sub3A_610 : i32
      %select_n3A_612 = arith.select %and3A_609, %sub3A_611, %div3A_590 : i32
      %mul3A_613 = arith.constant 4 : i32
      %mul3A_614 = arith.muli %select_n3A_612, %mul3A_613 : i32
      %rem3A_615 = arith.constant 4 : i32
      %rem3A_616 = arith.remsi %add3A_588, %rem3A_615 : i32
      %mul3A_617 = arith.constant 192 : i32
      %mul3A_618 = arith.muli %rem3A_616, %mul3A_617 : i32
      %jit3A_619 = arith.constant 4 : i32
      %div3A_620 = arith.divsi %add3A_588, %jit3A_619 : i32
      %sign3A_621 = arith.constant 0 : i32
      %sign3A_622 = arith.cmpi sgt, %add3A_588, %sign3A_621 : i32
      %sign3A_623 = arith.extui %sign3A_622 : i1 to i32
      %sign3A_624 = arith.constant 0 : i32
      %sign3A_625 = arith.cmpi slt, %add3A_588, %sign3A_624 : i32
      %sign3A_626 = arith.extui %sign3A_625 : i1 to i32
      %sign3A_627 = arith.subi %sign3A_623, %sign3A_626 : i32
      %sign3A_628 = arith.constant 0 : i32
      %sign3A_629 = arith.cmpi sgt, %jit3A_619, %sign3A_628 : i32
      %sign3A_630 = arith.extui %sign3A_629 : i1 to i32
      %sign3A_631 = arith.constant 0 : i32
      %sign3A_632 = arith.cmpi slt, %jit3A_619, %sign3A_631 : i32
      %sign3A_633 = arith.extui %sign3A_632 : i1 to i32
      %sign3A_634 = arith.subi %sign3A_630, %sign3A_633 : i32
      %ne3A_635 = arith.cmpi ne, %sign3A_627, %sign3A_634 : i32
      %rem3A_636 = arith.remsi %add3A_588, %jit3A_619 : i32
      %ne3A_637 = arith.constant 0 : i32
      %ne3A_638 = arith.cmpi ne, %rem3A_636, %ne3A_637 : i32
      %and3A_639 = arith.andi %ne3A_635, %ne3A_638 : i1
      %sub3A_640 = arith.constant 1 : i32
      %sub3A_641 = arith.subi %div3A_620, %sub3A_640 : i32
      %select_n3A_642 = arith.select %and3A_639, %sub3A_641, %div3A_620 : i32
      %mul3A_643 = arith.constant 4 : i32
      %mul3A_644 = arith.muli %select_n3A_642, %mul3A_643 : i32
      %rem3A_645 = arith.constant 4 : i32
      %rem3A_646 = arith.remsi %add3A_588, %rem3A_645 : i32
      %mul3A_647 = arith.constant 192 : i32
      %mul3A_648 = arith.muli %rem3A_646, %mul3A_647 : i32
      %dma_wait3A_649 = arith.constant 1 : i32
      %dma_wait3A_650 = arith.constant 1 : i32
      %dma_wait3A_651 = tpu.memref_slice %arg5[%dma_wait3A_650] : memref<4x!tpu.dma_semaphore, #tpu.memory_space<semaphore_mem>> -> memref<1x!tpu.dma_semaphore, #tpu.memory_space<semaphore_mem>>
      %dma_wait3A_652 = tpu.memref_squeeze %dma_wait3A_651 : memref<1x!tpu.dma_semaphore, #tpu.memory_space<semaphore_mem>> -> memref<!tpu.dma_semaphore, #tpu.memory_space<semaphore_mem>>
      %dma_wait3A_653 = arith.constant 0 : i32
      %dma_wait3A_654 = arith.constant 0 : i32
      %dma_wait3A_655 = arith.constant 0 : i32
      %dma_wait3A_656 = tpu.memref_slice %arg3[%dma_wait3A_649, %dma_wait3A_653, %dma_wait3A_654, %dma_wait3A_655] : memref<4x4x192x1024xf32, #tpu.memory_space<vmem>> -> memref<1x4x192x1024xf32, #tpu.memory_space<vmem>>
      %dma_wait3A_657 = tpu.memref_squeeze %dma_wait3A_656 : memref<1x4x192x1024xf32, #tpu.memory_space<vmem>> -> memref<4x192x1024xf32, #tpu.memory_space<vmem>>
      %dma_wait3A_658 = arith.constant 0 : i32
      %dma_wait3A_659 = tpu.memref_slice %arg1[%mul3A_644, %mul3A_648, %dma_wait3A_658] : memref<32x768x1024xf32, #tpu.memory_space<hbm>> -> memref<4x192x1024xf32, #tpu.memory_space<hbm>>
      tpu.wait_dma2 semaphore(%dma_wait3A_652 : memref<!tpu.dma_semaphore, #tpu.memory_space<semaphore_mem>>) src(%dma_wait3A_659 : memref<4x192x1024xf32, #tpu.memory_space<hbm>>) dst(%dma_wait3A_657 : memref<4x192x1024xf32, #tpu.memory_space<vmem>>)
      %gt3A_660 = arith.constant 0 : i32
      %gt3A_661 = arith.cmpi sgt, %scan3A_376, %gt3A_660 : i32
      %convert_element_type3A_662 = arith.extui %gt3A_661 : i1 to i32
      %cond3A_663 = arith.constant 0 : i32
      %cond3A_664 = arith.cmpi ne, %convert_element_type3A_662, %cond3A_663 : i32
      scf.if %cond3A_664 {
        %sub3A_1123 = arith.constant 4 : i32
        %sub3A_1124 = arith.subi %add3A_559, %sub3A_1123 : i32
        %rem3A_1125 = arith.constant 4 : i32
        %rem3A_1126 = arith.remsi %sub3A_1124, %rem3A_1125 : i32
        %mul3A_1127 = arith.constant 8 : i32
        %mul3A_1128 = arith.muli %rem3A_1126, %mul3A_1127 : i32
        %jit3A_1129 = arith.constant 4 : i32
        %div3A_1130 = arith.divsi %sub3A_1124, %jit3A_1129 : i32
        %sign3A_1131 = arith.constant 0 : i32
        %sign3A_1132 = arith.cmpi sgt, %sub3A_1124, %sign3A_1131 : i32
        %sign3A_1133 = arith.extui %sign3A_1132 : i1 to i32
        %sign3A_1134 = arith.constant 0 : i32
        %sign3A_1135 = arith.cmpi slt, %sub3A_1124, %sign3A_1134 : i32
        %sign3A_1136 = arith.extui %sign3A_1135 : i1 to i32
        %sign3A_1137 = arith.subi %sign3A_1133, %sign3A_1136 : i32
        %sign3A_1138 = arith.constant 0 : i32
        %sign3A_1139 = arith.cmpi sgt, %jit3A_1129, %sign3A_1138 : i32
        %sign3A_1140 = arith.extui %sign3A_1139 : i1 to i32
        %sign3A_1141 = arith.constant 0 : i32
        %sign3A_1142 = arith.cmpi slt, %jit3A_1129, %sign3A_1141 : i32
        %sign3A_1143 = arith.extui %sign3A_1142 : i1 to i32
        %sign3A_1144 = arith.subi %sign3A_1140, %sign3A_1143 : i32
        %ne3A_1145 = arith.cmpi ne, %sign3A_1137, %sign3A_1144 : i32
        %rem3A_1146 = arith.remsi %sub3A_1124, %jit3A_1129 : i32
        %ne3A_1147 = arith.constant 0 : i32
        %ne3A_1148 = arith.cmpi ne, %rem3A_1146, %ne3A_1147 : i32
        %and3A_1149 = arith.andi %ne3A_1145, %ne3A_1148 : i1
        %sub3A_1150 = arith.constant 1 : i32
        %sub3A_1151 = arith.subi %div3A_1130, %sub3A_1150 : i32
        %select_n3A_1152 = arith.select %and3A_1149, %sub3A_1151, %div3A_1130 : i32
        %add3A_1153 = arith.addi %mul3A_1128, %select_n3A_1152 : i32
        %jit3A_1154 = arith.constant 4 : i32
        %div3A_1155 = arith.divsi %add3A_1153, %jit3A_1154 : i32
        %sign3A_1156 = arith.constant 0 : i32
        %sign3A_1157 = arith.cmpi sgt, %add3A_1153, %sign3A_1156 : i32
        %sign3A_1158 = arith.extui %sign3A_1157 : i1 to i32
        %sign3A_1159 = arith.constant 0 : i32
        %sign3A_1160 = arith.cmpi slt, %add3A_1153, %sign3A_1159 : i32
        %sign3A_1161 = arith.extui %sign3A_1160 : i1 to i32
        %sign3A_1162 = arith.subi %sign3A_1158, %sign3A_1161 : i32
        %sign3A_1163 = arith.constant 0 : i32
        %sign3A_1164 = arith.cmpi sgt, %jit3A_1154, %sign3A_1163 : i32
        %sign3A_1165 = arith.extui %sign3A_1164 : i1 to i32
        %sign3A_1166 = arith.constant 0 : i32
        %sign3A_1167 = arith.cmpi slt, %jit3A_1154, %sign3A_1166 : i32
        %sign3A_1168 = arith.extui %sign3A_1167 : i1 to i32
        %sign3A_1169 = arith.subi %sign3A_1165, %sign3A_1168 : i32
        %ne3A_1170 = arith.cmpi ne, %sign3A_1162, %sign3A_1169 : i32
        %rem3A_1171 = arith.remsi %add3A_1153, %jit3A_1154 : i32
        %ne3A_1172 = arith.constant 0 : i32
        %ne3A_1173 = arith.cmpi ne, %rem3A_1171, %ne3A_1172 : i32
        %and3A_1174 = arith.andi %ne3A_1170, %ne3A_1173 : i1
        %sub3A_1175 = arith.constant 1 : i32
        %sub3A_1176 = arith.subi %div3A_1155, %sub3A_1175 : i32
        %select_n3A_1177 = arith.select %and3A_1174, %sub3A_1176, %div3A_1155 : i32
        %mul3A_1178 = arith.constant 4 : i32
        %mul3A_1179 = arith.muli %select_n3A_1177, %mul3A_1178 : i32
        %rem3A_1180 = arith.constant 4 : i32
        %rem3A_1181 = arith.remsi %add3A_1153, %rem3A_1180 : i32
        %mul3A_1182 = arith.constant 192 : i32
        %mul3A_1183 = arith.muli %rem3A_1181, %mul3A_1182 : i32
        %dma_wait3A_1184 = arith.constant 1 : i32
        %dma_wait3A_1185 = arith.constant 1 : i32
        %dma_wait3A_1186 = tpu.memref_slice %arg6[%dma_wait3A_1185] : memref<4x!tpu.dma_semaphore, #tpu.memory_space<semaphore_mem>> -> memref<1x!tpu.dma_semaphore, #tpu.memory_space<semaphore_mem>>
        %dma_wait3A_1187 = tpu.memref_squeeze %dma_wait3A_1186 : memref<1x!tpu.dma_semaphore, #tpu.memory_space<semaphore_mem>> -> memref<!tpu.dma_semaphore, #tpu.memory_space<semaphore_mem>>
        %dma_wait3A_1188 = arith.constant 0 : i32
        %dma_wait3A_1189 = tpu.memref_slice %arg2[%mul3A_1179, %mul3A_1183, %dma_wait3A_1188] : memref<32x768x1024xf32, #tpu.memory_space<hbm>> -> memref<4x192x1024xf32, #tpu.memory_space<hbm>>
        %dma_wait3A_1190 = arith.constant 0 : i32
        %dma_wait3A_1191 = arith.constant 0 : i32
        %dma_wait3A_1192 = arith.constant 0 : i32
        %dma_wait3A_1193 = tpu.memref_slice %arg4[%dma_wait3A_1184, %dma_wait3A_1190, %dma_wait3A_1191, %dma_wait3A_1192] : memref<4x4x192x1024xf32, #tpu.memory_space<vmem>> -> memref<1x4x192x1024xf32, #tpu.memory_space<vmem>>
        %dma_wait3A_1194 = tpu.memref_squeeze %dma_wait3A_1193 : memref<1x4x192x1024xf32, #tpu.memory_space<vmem>> -> memref<4x192x1024xf32, #tpu.memory_space<vmem>>
        tpu.wait_dma2 semaphore(%dma_wait3A_1187 : memref<!tpu.dma_semaphore, #tpu.memory_space<semaphore_mem>>) src(%dma_wait3A_1194 : memref<4x192x1024xf32, #tpu.memory_space<vmem>>) dst(%dma_wait3A_1189 : memref<4x192x1024xf32, #tpu.memory_space<hbm>>)
      } else {
      }
      %get3A_665 = arith.index_cast %mul3A_618 : i32 to index
      %get3A_666 = arith.constant 0 : index
      %get3A_667 = vector.load %arg0[%get3A_665, %get3A_666] : memref<768x32xf32, #tpu.memory_space<vmem>>, vector<192x32xf32>
      %iota3A_668 = tpu.iota {dimensions = array<i32: 2>} : vector<4x192x32xi32>
      %iota3A_669 = tpu.iota {dimensions = array<i32: 0>} : vector<4x192x32xi32>
      %add3A_670 = vector.broadcast %mul3A_614 : i32 to vector<4x192x32xi32>
      %add3A_671 = arith.addi %iota3A_669, %add3A_670 : vector<4x192x32xi32>
      %eq3A_672 = arith.cmpi eq, %iota3A_668, %add3A_671 : vector<4x192x32xi32>
      %broadcast_in_dim3A_673 = vector.shape_cast %get3A_667 : vector<192x32xf32> to vector<1x192x32xf32>
      %jit3A_674 = arith.constant 0.000000e+00 : f32
      %broadcast_in_dim3A_675 = vector.shape_cast %broadcast_in_dim3A_673 : vector<1x192x32xf32> to vector<1x192x32xf32>
      %broadcast_in_dim3A_676 = vector.broadcast %broadcast_in_dim3A_675 : vector<1x192x32xf32> to vector<4x192x32xf32>
      %broadcast_in_dim3A_677 = vector.broadcast %jit3A_674 : f32 to vector<4x192x32xf32>
      %select_n3A_678 = arith.select %eq3A_672, %broadcast_in_dim3A_676, %broadcast_in_dim3A_677 : vector<4x192x32xi1>, vector<4x192x32xf32>
      %reduce_sum3A_679 = arith.constant dense<0.000000e+00> : vector<4x192xf32>
      %reduce_sum3A_680 = vector.multi_reduction <add>, %select_n3A_678, %reduce_sum3A_679 [2] : vector<4x192x32xf32> to vector<4x192xf32>
      %broadcast_in_dim3A_681 = vector.shape_cast %reduce_sum3A_680 : vector<4x192xf32> to vector<4x192x1xf32>
      %get3A_682 = arith.constant 1 : index
      %get3A_683 = arith.constant 0 : index
      %get3A_684 = arith.constant 0 : index
      %get3A_685 = arith.constant 0 : index
      %get3A_686 = vector.load %arg3[%get3A_682, %get3A_683, %get3A_684, %get3A_685] : memref<4x4x192x1024xf32, #tpu.memory_space<vmem>>, vector<1x4x192x1024xf32>
      %get3A_687 = vector.shape_cast %get3A_686 : vector<1x4x192x1024xf32> to vector<4x192x1024xf32>
      %add3A_688 = vector.broadcast %broadcast_in_dim3A_681 : vector<4x192x1xf32> to vector<4x192x1024xf32>
      %add3A_689 = arith.addf %get3A_687, %add3A_688 : vector<4x192x1024xf32>
      %swap3A_690 = arith.constant 1 : index
      %swap3A_691 = arith.constant 0 : index
      %swap3A_692 = arith.constant 0 : index
      %swap3A_693 = arith.constant 0 : index
      %swap3A_694 = vector.load %arg4[%swap3A_690, %swap3A_691, %swap3A_692, %swap3A_693] : memref<4x4x192x1024xf32, #tpu.memory_space<vmem>>, vector<1x4x192x1024xf32>
      %swap3A_695 = vector.shape_cast %swap3A_694 : vector<1x4x192x1024xf32> to vector<4x192x1024xf32>
      %swap3A_696 = vector.shape_cast %add3A_689 : vector<4x192x1024xf32> to vector<1x4x192x1024xf32>
      tpu.vector_store %arg4[%swap3A_690, %swap3A_691, %swap3A_692, %swap3A_693], %swap3A_696 {strides = array<i32>} : memref<4x4x192x1024xf32, #tpu.memory_space<vmem>>, vector<1x4x192x1024xf32>,
      %jit3A_697 = arith.constant 4 : i32
      %div3A_698 = arith.divsi %add3A_588, %jit3A_697 : i32
      %sign3A_699 = arith.constant 0 : i32
      %sign3A_700 = arith.cmpi sgt, %add3A_588, %sign3A_699 : i32
      %sign3A_701 = arith.extui %sign3A_700 : i1 to i32
      %sign3A_702 = arith.constant 0 : i32
      %sign3A_703 = arith.cmpi slt, %add3A_588, %sign3A_702 : i32
      %sign3A_704 = arith.extui %sign3A_703 : i1 to i32
      %sign3A_705 = arith.subi %sign3A_701, %sign3A_704 : i32
      %sign3A_706 = arith.constant 0 : i32
      %sign3A_707 = arith.cmpi sgt, %jit3A_697, %sign3A_706 : i32
      %sign3A_708 = arith.extui %sign3A_707 : i1 to i32
      %sign3A_709 = arith.constant 0 : i32
      %sign3A_710 = arith.cmpi slt, %jit3A_697, %sign3A_709 : i32
      %sign3A_711 = arith.extui %sign3A_710 : i1 to i32
      %sign3A_712 = arith.subi %sign3A_708, %sign3A_711 : i32
      %ne3A_713 = arith.cmpi ne, %sign3A_705, %sign3A_712 : i32
      %rem3A_714 = arith.remsi %add3A_588, %jit3A_697 : i32
      %ne3A_715 = arith.constant 0 : i32
      %ne3A_716 = arith.cmpi ne, %rem3A_714, %ne3A_715 : i32
      %and3A_717 = arith.andi %ne3A_713, %ne3A_716 : i1
      %sub3A_718 = arith.constant 1 : i32
      %sub3A_719 = arith.subi %div3A_698, %sub3A_718 : i32
      %select_n3A_720 = arith.select %and3A_717, %sub3A_719, %div3A_698 : i32
      %mul3A_721 = arith.constant 4 : i32
      %mul3A_722 = arith.muli %select_n3A_720, %mul3A_721 : i32
      %rem3A_723 = arith.constant 4 : i32
      %rem3A_724 = arith.remsi %add3A_588, %rem3A_723 : i32
      %mul3A_725 = arith.constant 192 : i32
      %mul3A_726 = arith.muli %rem3A_724, %mul3A_725 : i32
      %dma_start3A_727 = arith.constant 1 : i32
      %dma_start3A_728 = arith.constant 1 : i32
      %dma_start3A_729 = tpu.memref_slice %arg6[%dma_start3A_728] : memref<4x!tpu.dma_semaphore, #tpu.memory_space<semaphore_mem>> -> memref<1x!tpu.dma_semaphore, #tpu.memory_space<semaphore_mem>>
      %dma_start3A_730 = tpu.memref_squeeze %dma_start3A_729 : memref<1x!tpu.dma_semaphore, #tpu.memory_space<semaphore_mem>> -> memref<!tpu.dma_semaphore, #tpu.memory_space<semaphore_mem>>
      %dma_start3A_731 = arith.constant 0 : i32
      %dma_start3A_732 = tpu.memref_slice %arg2[%mul3A_722, %mul3A_726, %dma_start3A_731] : memref<32x768x1024xf32, #tpu.memory_space<hbm>> -> memref<4x192x1024xf32, #tpu.memory_space<hbm>>
      %dma_start3A_733 = arith.constant 0 : i32
      %dma_start3A_734 = arith.constant 0 : i32
      %dma_start3A_735 = arith.constant 0 : i32
      %dma_start3A_736 = tpu.memref_slice %arg4[%dma_start3A_727, %dma_start3A_733, %dma_start3A_734, %dma_start3A_735] : memref<4x4x192x1024xf32, #tpu.memory_space<vmem>> -> memref<1x4x192x1024xf32, #tpu.memory_space<vmem>>
      %dma_start3A_737 = tpu.memref_squeeze %dma_start3A_736 : memref<1x4x192x1024xf32, #tpu.memory_space<vmem>> -> memref<4x192x1024xf32, #tpu.memory_space<vmem>>
      tpu.enqueue_dma source(%dma_start3A_737 : memref<4x192x1024xf32, #tpu.memory_space<vmem>>) target(%dma_start3A_732 : memref<4x192x1024xf32, #tpu.memory_space<hbm>>) target_semaphore(%dma_start3A_730 : memref<!tpu.dma_semaphore, #tpu.memory_space<semaphore_mem>>) {priority = 1 : i32}
      %add3A_738 = arith.constant 4 : i32
      %add3A_739 = arith.addi %add3A_559, %add3A_738 : i32
      %lt3A_740 = arith.constant 32 : i32
      %lt3A_741 = arith.cmpi slt, %add3A_739, %lt3A_740 : i32
      %convert_element_type3A_742 = arith.extui %lt3A_741 : i1 to i32
      %cond3A_743 = arith.constant 0 : i32
      %cond3A_744 = arith.cmpi ne, %convert_element_type3A_742, %cond3A_743 : i32
      scf.if %cond3A_744 {
        %add3A_1123 = arith.constant 4 : i32
        %add3A_1124 = arith.addi %add3A_559, %add3A_1123 : i32
        %rem3A_1125 = arith.constant 4 : i32
        %rem3A_1126 = arith.remsi %add3A_1124, %rem3A_1125 : i32
        %mul3A_1127 = arith.constant 8 : i32
        %mul3A_1128 = arith.muli %rem3A_1126, %mul3A_1127 : i32
        %jit3A_1129 = arith.constant 4 : i32
        %div3A_1130 = arith.divsi %add3A_1124, %jit3A_1129 : i32
        %sign3A_1131 = arith.constant 0 : i32
        %sign3A_1132 = arith.cmpi sgt, %add3A_1124, %sign3A_1131 : i32
        %sign3A_1133 = arith.extui %sign3A_1132 : i1 to i32
        %sign3A_1134 = arith.constant 0 : i32
        %sign3A_1135 = arith.cmpi slt, %add3A_1124, %sign3A_1134 : i32
        %sign3A_1136 = arith.extui %sign3A_1135 : i1 to i32
        %sign3A_1137 = arith.subi %sign3A_1133, %sign3A_1136 : i32
        %sign3A_1138 = arith.constant 0 : i32
        %sign3A_1139 = arith.cmpi sgt, %jit3A_1129, %sign3A_1138 : i32
        %sign3A_1140 = arith.extui %sign3A_1139 : i1 to i32
        %sign3A_1141 = arith.constant 0 : i32
        %sign3A_1142 = arith.cmpi slt, %jit3A_1129, %sign3A_1141 : i32
        %sign3A_1143 = arith.extui %sign3A_1142 : i1 to i32
        %sign3A_1144 = arith.subi %sign3A_1140, %sign3A_1143 : i32
        %ne3A_1145 = arith.cmpi ne, %sign3A_1137, %sign3A_1144 : i32
        %rem3A_1146 = arith.remsi %add3A_1124, %jit3A_1129 : i32
        %ne3A_1147 = arith.constant 0 : i32
        %ne3A_1148 = arith.cmpi ne, %rem3A_1146, %ne3A_1147 : i32
        %and3A_1149 = arith.andi %ne3A_1145, %ne3A_1148 : i1
        %sub3A_1150 = arith.constant 1 : i32
        %sub3A_1151 = arith.subi %div3A_1130, %sub3A_1150 : i32
        %select_n3A_1152 = arith.select %and3A_1149, %sub3A_1151, %div3A_1130 : i32
        %add3A_1153 = arith.addi %mul3A_1128, %select_n3A_1152 : i32
        %jit3A_1154 = arith.constant 4 : i32
        %div3A_1155 = arith.divsi %add3A_1153, %jit3A_1154 : i32
        %sign3A_1156 = arith.constant 0 : i32
        %sign3A_1157 = arith.cmpi sgt, %add3A_1153, %sign3A_1156 : i32
        %sign3A_1158 = arith.extui %sign3A_1157 : i1 to i32
        %sign3A_1159 = arith.constant 0 : i32
        %sign3A_1160 = arith.cmpi slt, %add3A_1153, %sign3A_1159 : i32
        %sign3A_1161 = arith.extui %sign3A_1160 : i1 to i32
        %sign3A_1162 = arith.subi %sign3A_1158, %sign3A_1161 : i32
        %sign3A_1163 = arith.constant 0 : i32
        %sign3A_1164 = arith.cmpi sgt, %jit3A_1154, %sign3A_1163 : i32
        %sign3A_1165 = arith.extui %sign3A_1164 : i1 to i32
        %sign3A_1166 = arith.constant 0 : i32
        %sign3A_1167 = arith.cmpi slt, %jit3A_1154, %sign3A_1166 : i32
        %sign3A_1168 = arith.extui %sign3A_1167 : i1 to i32
        %sign3A_1169 = arith.subi %sign3A_1165, %sign3A_1168 : i32
        %ne3A_1170 = arith.cmpi ne, %sign3A_1162, %sign3A_1169 : i32
        %rem3A_1171 = arith.remsi %add3A_1153, %jit3A_1154 : i32
        %ne3A_1172 = arith.constant 0 : i32
        %ne3A_1173 = arith.cmpi ne, %rem3A_1171, %ne3A_1172 : i32
        %and3A_1174 = arith.andi %ne3A_1170, %ne3A_1173 : i1
        %sub3A_1175 = arith.constant 1 : i32
        %sub3A_1176 = arith.subi %div3A_1155, %sub3A_1175 : i32
        %select_n3A_1177 = arith.select %and3A_1174, %sub3A_1176, %div3A_1155 : i32
        %mul3A_1178 = arith.constant 4 : i32
        %mul3A_1179 = arith.muli %select_n3A_1177, %mul3A_1178 : i32
        %rem3A_1180 = arith.constant 4 : i32
        %rem3A_1181 = arith.remsi %add3A_1153, %rem3A_1180 : i32
        %mul3A_1182 = arith.constant 192 : i32
        %mul3A_1183 = arith.muli %rem3A_1181, %mul3A_1182 : i32
        %dma_start3A_1184 = arith.constant 1 : i32
        %dma_start3A_1185 = arith.constant 1 : i32
        %dma_start3A_1186 = tpu.memref_slice %arg5[%dma_start3A_1185] : memref<4x!tpu.dma_semaphore, #tpu.memory_space<semaphore_mem>> -> memref<1x!tpu.dma_semaphore, #tpu.memory_space<semaphore_mem>>
        %dma_start3A_1187 = tpu.memref_squeeze %dma_start3A_1186 : memref<1x!tpu.dma_semaphore, #tpu.memory_space<semaphore_mem>> -> memref<!tpu.dma_semaphore, #tpu.memory_space<semaphore_mem>>
        %dma_start3A_1188 = arith.constant 0 : i32
        %dma_start3A_1189 = arith.constant 0 : i32
        %dma_start3A_1190 = arith.constant 0 : i32
        %dma_start3A_1191 = tpu.memref_slice %arg3[%dma_start3A_1184, %dma_start3A_1188, %dma_start3A_1189, %dma_start3A_1190] : memref<4x4x192x1024xf32, #tpu.memory_space<vmem>> -> memref<1x4x192x1024xf32, #tpu.memory_space<vmem>>
        %dma_start3A_1192 = tpu.memref_squeeze %dma_start3A_1191 : memref<1x4x192x1024xf32, #tpu.memory_space<vmem>> -> memref<4x192x1024xf32, #tpu.memory_space<vmem>>
        %dma_start3A_1193 = arith.constant 0 : i32
        %dma_start3A_1194 = tpu.memref_slice %arg1[%mul3A_1179, %mul3A_1183, %dma_start3A_1193] : memref<32x768x1024xf32, #tpu.memory_space<hbm>> -> memref<4x192x1024xf32, #tpu.memory_space<hbm>>
        tpu.enqueue_dma source(%dma_start3A_1194 : memref<4x192x1024xf32, #tpu.memory_space<hbm>>) target(%dma_start3A_1192 : memref<4x192x1024xf32, #tpu.memory_space<vmem>>) target_semaphore(%dma_start3A_1187 : memref<!tpu.dma_semaphore, #tpu.memory_space<semaphore_mem>>) {priority = 1 : i32}
      } else {
      }
      %mul3A_745 = arith.constant 4 : i32
      %mul3A_746 = arith.muli %scan3A_376, %mul3A_745 : i32
      %add3A_747 = arith.constant 2 : i32
      %add3A_748 = arith.addi %mul3A_746, %add3A_747 : i32
      %rem3A_749 = arith.constant 4 : i32
      %rem3A_750 = arith.remsi %add3A_748, %rem3A_749 : i32
      %mul3A_751 = arith.constant 8 : i32
      %mul3A_752 = arith.muli %rem3A_750, %mul3A_751 : i32
      %jit3A_753 = arith.constant 4 : i32
      %div3A_754 = arith.divsi %add3A_748, %jit3A_753 : i32
      %sign3A_755 = arith.constant 0 : i32
      %sign3A_756 = arith.cmpi sgt, %add3A_748, %sign3A_755 : i32
      %sign3A_757 = arith.extui %sign3A_756 : i1 to i32
      %sign3A_758 = arith.constant 0 : i32
      %sign3A_759 = arith.cmpi slt, %add3A_748, %sign3A_758 : i32
      %sign3A_760 = arith.extui %sign3A_759 : i1 to i32
      %sign3A_761 = arith.subi %sign3A_757, %sign3A_760 : i32
      %sign3A_762 = arith.constant 0 : i32
      %sign3A_763 = arith.cmpi sgt, %jit3A_753, %sign3A_762 : i32
      %sign3A_764 = arith.extui %sign3A_763 : i1 to i32
      %sign3A_765 = arith.constant 0 : i32
      %sign3A_766 = arith.cmpi slt, %jit3A_753, %sign3A_765 : i32
      %sign3A_767 = arith.extui %sign3A_766 : i1 to i32
      %sign3A_768 = arith.subi %sign3A_764, %sign3A_767 : i32
      %ne3A_769 = arith.cmpi ne, %sign3A_761, %sign3A_768 : i32
      %rem3A_770 = arith.remsi %add3A_748, %jit3A_753 : i32
      %ne3A_771 = arith.constant 0 : i32
      %ne3A_772 = arith.cmpi ne, %rem3A_770, %ne3A_771 : i32
      %and3A_773 = arith.andi %ne3A_769, %ne3A_772 : i1
      %sub3A_774 = arith.constant 1 : i32
      %sub3A_775 = arith.subi %div3A_754, %sub3A_774 : i32
      %select_n3A_776 = arith.select %and3A_773, %sub3A_775, %div3A_754 : i32
      %add3A_777 = arith.addi %mul3A_752, %select_n3A_776 : i32
      %jit3A_778 = arith.constant 4 : i32
      %div3A_779 = arith.divsi %add3A_777, %jit3A_778 : i32
      %sign3A_780 = arith.constant 0 : i32
      %sign3A_781 = arith.cmpi sgt, %add3A_777, %sign3A_780 : i32
      %sign3A_782 = arith.extui %sign3A_781 : i1 to i32
      %sign3A_783 = arith.constant 0 : i32
      %sign3A_784 = arith.cmpi slt, %add3A_777, %sign3A_783 : i32
      %sign3A_785 = arith.extui %sign3A_784 : i1 to i32
      %sign3A_786 = arith.subi %sign3A_782, %sign3A_785 : i32
      %sign3A_787 = arith.constant 0 : i32
      %sign3A_788 = arith.cmpi sgt, %jit3A_778, %sign3A_787 : i32
      %sign3A_789 = arith.extui %sign3A_788 : i1 to i32
      %sign3A_790 = arith.constant 0 : i32
      %sign3A_791 = arith.cmpi slt, %jit3A_778, %sign3A_790 : i32
      %sign3A_792 = arith.extui %sign3A_791 : i1 to i32
      %sign3A_793 = arith.subi %sign3A_789, %sign3A_792 : i32
      %ne3A_794 = arith.cmpi ne, %sign3A_786, %sign3A_793 : i32
      %rem3A_795 = arith.remsi %add3A_777, %jit3A_778 : i32
      %ne3A_796 = arith.constant 0 : i32
      %ne3A_797 = arith.cmpi ne, %rem3A_795, %ne3A_796 : i32
      %and3A_798 = arith.andi %ne3A_794, %ne3A_797 : i1
      %sub3A_799 = arith.constant 1 : i32
      %sub3A_800 = arith.subi %div3A_779, %sub3A_799 : i32
      %select_n3A_801 = arith.select %and3A_798, %sub3A_800, %div3A_779 : i32
      %mul3A_802 = arith.constant 4 : i32
      %mul3A_803 = arith.muli %select_n3A_801, %mul3A_802 : i32
      %rem3A_804 = arith.constant 4 : i32
      %rem3A_805 = arith.remsi %add3A_777, %rem3A_804 : i32
      %mul3A_806 = arith.constant 192 : i32
      %mul3A_807 = arith.muli %rem3A_805, %mul3A_806 : i32
      %jit3A_808 = arith.constant 4 : i32
      %div3A_809 = arith.divsi %add3A_777, %jit3A_808 : i32
      %sign3A_810 = arith.constant 0 : i32
      %sign3A_811 = arith.cmpi sgt, %add3A_777, %sign3A_810 : i32
      %sign3A_812 = arith.extui %sign3A_811 : i1 to i32
      %sign3A_813 = arith.constant 0 : i32
      %sign3A_814 = arith.cmpi slt, %add3A_777, %sign3A_813 : i32
      %sign3A_815 = arith.extui %sign3A_814 : i1 to i32
      %sign3A_816 = arith.subi %sign3A_812, %sign3A_815 : i32
      %sign3A_817 = arith.constant 0 : i32
      %sign3A_818 = arith.cmpi sgt, %jit3A_808, %sign3A_817 : i32
      %sign3A_819 = arith.extui %sign3A_818 : i1 to i32
      %sign3A_820 = arith.constant 0 : i32
      %sign3A_821 = arith.cmpi slt, %jit3A_808, %sign3A_820 : i32
      %sign3A_822 = arith.extui %sign3A_821 : i1 to i32
      %sign3A_823 = arith.subi %sign3A_819, %sign3A_822 : i32
      %ne3A_824 = arith.cmpi ne, %sign3A_816, %sign3A_823 : i32
      %rem3A_825 = arith.remsi %add3A_777, %jit3A_808 : i32
      %ne3A_826 = arith.constant 0 : i32
      %ne3A_827 = arith.cmpi ne, %rem3A_825, %ne3A_826 : i32
      %and3A_828 = arith.andi %ne3A_824, %ne3A_827 : i1
      %sub3A_829 = arith.constant 1 : i32
      %sub3A_830 = arith.subi %div3A_809, %sub3A_829 : i32
      %select_n3A_831 = arith.select %and3A_828, %sub3A_830, %div3A_809 : i32
      %mul3A_832 = arith.constant 4 : i32
      %mul3A_833 = arith.muli %select_n3A_831, %mul3A_832 : i32
      %rem3A_834 = arith.constant 4 : i32
      %rem3A_835 = arith.remsi %add3A_777, %rem3A_834 : i32
      %mul3A_836 = arith.constant 192 : i32
      %mul3A_837 = arith.muli %rem3A_835, %mul3A_836 : i32
      %dma_wait3A_838 = arith.constant 2 : i32
      %dma_wait3A_839 = arith.constant 2 : i32
      %dma_wait3A_840 = tpu.memref_slice %arg5[%dma_wait3A_839] : memref<4x!tpu.dma_semaphore, #tpu.memory_space<semaphore_mem>> -> memref<1x!tpu.dma_semaphore, #tpu.memory_space<semaphore_mem>>
      %dma_wait3A_841 = tpu.memref_squeeze %dma_wait3A_840 : memref<1x!tpu.dma_semaphore, #tpu.memory_space<semaphore_mem>> -> memref<!tpu.dma_semaphore, #tpu.memory_space<semaphore_mem>>
      %dma_wait3A_842 = arith.constant 0 : i32
      %dma_wait3A_843 = arith.constant 0 : i32
      %dma_wait3A_844 = arith.constant 0 : i32
      %dma_wait3A_845 = tpu.memref_slice %arg3[%dma_wait3A_838, %dma_wait3A_842, %dma_wait3A_843, %dma_wait3A_844] : memref<4x4x192x1024xf32, #tpu.memory_space<vmem>> -> memref<1x4x192x1024xf32, #tpu.memory_space<vmem>>
      %dma_wait3A_846 = tpu.memref_squeeze %dma_wait3A_845 : memref<1x4x192x1024xf32, #tpu.memory_space<vmem>> -> memref<4x192x1024xf32, #tpu.memory_space<vmem>>
      %dma_wait3A_847 = arith.constant 0 : i32
      %dma_wait3A_848 = tpu.memref_slice %arg1[%mul3A_833, %mul3A_837, %dma_wait3A_847] : memref<32x768x1024xf32, #tpu.memory_space<hbm>> -> memref<4x192x1024xf32, #tpu.memory_space<hbm>>
      tpu.wait_dma2 semaphore(%dma_wait3A_841 : memref<!tpu.dma_semaphore, #tpu.memory_space<semaphore_mem>>) src(%dma_wait3A_848 : memref<4x192x1024xf32, #tpu.memory_space<hbm>>) dst(%dma_wait3A_846 : memref<4x192x1024xf32, #tpu.memory_space<vmem>>)
      %gt3A_849 = arith.constant 0 : i32
      %gt3A_850 = arith.cmpi sgt, %scan3A_376, %gt3A_849 : i32
      %convert_element_type3A_851 = arith.extui %gt3A_850 : i1 to i32
      %cond3A_852 = arith.constant 0 : i32
      %cond3A_853 = arith.cmpi ne, %convert_element_type3A_851, %cond3A_852 : i32
      scf.if %cond3A_853 {
        %sub3A_1123 = arith.constant 4 : i32
        %sub3A_1124 = arith.subi %add3A_748, %sub3A_1123 : i32
        %rem3A_1125 = arith.constant 4 : i32
        %rem3A_1126 = arith.remsi %sub3A_1124, %rem3A_1125 : i32
        %mul3A_1127 = arith.constant 8 : i32
        %mul3A_1128 = arith.muli %rem3A_1126, %mul3A_1127 : i32
        %jit3A_1129 = arith.constant 4 : i32
        %div3A_1130 = arith.divsi %sub3A_1124, %jit3A_1129 : i32
        %sign3A_1131 = arith.constant 0 : i32
        %sign3A_1132 = arith.cmpi sgt, %sub3A_1124, %sign3A_1131 : i32
        %sign3A_1133 = arith.extui %sign3A_1132 : i1 to i32
        %sign3A_1134 = arith.constant 0 : i32
        %sign3A_1135 = arith.cmpi slt, %sub3A_1124, %sign3A_1134 : i32
        %sign3A_1136 = arith.extui %sign3A_1135 : i1 to i32
        %sign3A_1137 = arith.subi %sign3A_1133, %sign3A_1136 : i32
        %sign3A_1138 = arith.constant 0 : i32
        %sign3A_1139 = arith.cmpi sgt, %jit3A_1129, %sign3A_1138 : i32
        %sign3A_1140 = arith.extui %sign3A_1139 : i1 to i32
        %sign3A_1141 = arith.constant 0 : i32
        %sign3A_1142 = arith.cmpi slt, %jit3A_1129, %sign3A_1141 : i32
        %sign3A_1143 = arith.extui %sign3A_1142 : i1 to i32
        %sign3A_1144 = arith.subi %sign3A_1140, %sign3A_1143 : i32
        %ne3A_1145 = arith.cmpi ne, %sign3A_1137, %sign3A_1144 : i32
        %rem3A_1146 = arith.remsi %sub3A_1124, %jit3A_1129 : i32
        %ne3A_1147 = arith.constant 0 : i32
        %ne3A_1148 = arith.cmpi ne, %rem3A_1146, %ne3A_1147 : i32
        %and3A_1149 = arith.andi %ne3A_1145, %ne3A_1148 : i1
        %sub3A_1150 = arith.constant 1 : i32
        %sub3A_1151 = arith.subi %div3A_1130, %sub3A_1150 : i32
        %select_n3A_1152 = arith.select %and3A_1149, %sub3A_1151, %div3A_1130 : i32
        %add3A_1153 = arith.addi %mul3A_1128, %select_n3A_1152 : i32
        %jit3A_1154 = arith.constant 4 : i32
        %div3A_1155 = arith.divsi %add3A_1153, %jit3A_1154 : i32
        %sign3A_1156 = arith.constant 0 : i32
        %sign3A_1157 = arith.cmpi sgt, %add3A_1153, %sign3A_1156 : i32
        %sign3A_1158 = arith.extui %sign3A_1157 : i1 to i32
        %sign3A_1159 = arith.constant 0 : i32
        %sign3A_1160 = arith.cmpi slt, %add3A_1153, %sign3A_1159 : i32
        %sign3A_1161 = arith.extui %sign3A_1160 : i1 to i32
        %sign3A_1162 = arith.subi %sign3A_1158, %sign3A_1161 : i32
        %sign3A_1163 = arith.constant 0 : i32
        %sign3A_1164 = arith.cmpi sgt, %jit3A_1154, %sign3A_1163 : i32
        %sign3A_1165 = arith.extui %sign3A_1164 : i1 to i32
        %sign3A_1166 = arith.constant 0 : i32
        %sign3A_1167 = arith.cmpi slt, %jit3A_1154, %sign3A_1166 : i32
        %sign3A_1168 = arith.extui %sign3A_1167 : i1 to i32
        %sign3A_1169 = arith.subi %sign3A_1165, %sign3A_1168 : i32
        %ne3A_1170 = arith.cmpi ne, %sign3A_1162, %sign3A_1169 : i32
        %rem3A_1171 = arith.remsi %add3A_1153, %jit3A_1154 : i32
        %ne3A_1172 = arith.constant 0 : i32
        %ne3A_1173 = arith.cmpi ne, %rem3A_1171, %ne3A_1172 : i32
        %and3A_1174 = arith.andi %ne3A_1170, %ne3A_1173 : i1
        %sub3A_1175 = arith.constant 1 : i32
        %sub3A_1176 = arith.subi %div3A_1155, %sub3A_1175 : i32
        %select_n3A_1177 = arith.select %and3A_1174, %sub3A_1176, %div3A_1155 : i32
        %mul3A_1178 = arith.constant 4 : i32
        %mul3A_1179 = arith.muli %select_n3A_1177, %mul3A_1178 : i32
        %rem3A_1180 = arith.constant 4 : i32
        %rem3A_1181 = arith.remsi %add3A_1153, %rem3A_1180 : i32
        %mul3A_1182 = arith.constant 192 : i32
        %mul3A_1183 = arith.muli %rem3A_1181, %mul3A_1182 : i32
        %dma_wait3A_1184 = arith.constant 2 : i32
        %dma_wait3A_1185 = arith.constant 2 : i32
        %dma_wait3A_1186 = tpu.memref_slice %arg6[%dma_wait3A_1185] : memref<4x!tpu.dma_semaphore, #tpu.memory_space<semaphore_mem>> -> memref<1x!tpu.dma_semaphore, #tpu.memory_space<semaphore_mem>>
        %dma_wait3A_1187 = tpu.memref_squeeze %dma_wait3A_1186 : memref<1x!tpu.dma_semaphore, #tpu.memory_space<semaphore_mem>> -> memref<!tpu.dma_semaphore, #tpu.memory_space<semaphore_mem>>
        %dma_wait3A_1188 = arith.constant 0 : i32
        %dma_wait3A_1189 = tpu.memref_slice %arg2[%mul3A_1179, %mul3A_1183, %dma_wait3A_1188] : memref<32x768x1024xf32, #tpu.memory_space<hbm>> -> memref<4x192x1024xf32, #tpu.memory_space<hbm>>
        %dma_wait3A_1190 = arith.constant 0 : i32
        %dma_wait3A_1191 = arith.constant 0 : i32
        %dma_wait3A_1192 = arith.constant 0 : i32
        %dma_wait3A_1193 = tpu.memref_slice %arg4[%dma_wait3A_1184, %dma_wait3A_1190, %dma_wait3A_1191, %dma_wait3A_1192] : memref<4x4x192x1024xf32, #tpu.memory_space<vmem>> -> memref<1x4x192x1024xf32, #tpu.memory_space<vmem>>
        %dma_wait3A_1194 = tpu.memref_squeeze %dma_wait3A_1193 : memref<1x4x192x1024xf32, #tpu.memory_space<vmem>> -> memref<4x192x1024xf32, #tpu.memory_space<vmem>>
        tpu.wait_dma2 semaphore(%dma_wait3A_1187 : memref<!tpu.dma_semaphore, #tpu.memory_space<semaphore_mem>>) src(%dma_wait3A_1194 : memref<4x192x1024xf32, #tpu.memory_space<vmem>>) dst(%dma_wait3A_1189 : memref<4x192x1024xf32, #tpu.memory_space<hbm>>)
      } else {
      }
      %get3A_854 = arith.index_cast %mul3A_807 : i32 to index
      %get3A_855 = arith.constant 0 : index
      %get3A_856 = vector.load %arg0[%get3A_854, %get3A_855] : memref<768x32xf32, #tpu.memory_space<vmem>>, vector<192x32xf32>
      %iota3A_857 = tpu.iota {dimensions = array<i32: 2>} : vector<4x192x32xi32>
      %iota3A_858 = tpu.iota {dimensions = array<i32: 0>} : vector<4x192x32xi32>
      %add3A_859 = vector.broadcast %mul3A_803 : i32 to vector<4x192x32xi32>
      %add3A_860 = arith.addi %iota3A_858, %add3A_859 : vector<4x192x32xi32>
      %eq3A_861 = arith.cmpi eq, %iota3A_857, %add3A_860 : vector<4x192x32xi32>
      %broadcast_in_dim3A_862 = vector.shape_cast %get3A_856 : vector<192x32xf32> to vector<1x192x32xf32>
      %jit3A_863 = arith.constant 0.000000e+00 : f32
      %broadcast_in_dim3A_864 = vector.shape_cast %broadcast_in_dim3A_862 : vector<1x192x32xf32> to vector<1x192x32xf32>
      %broadcast_in_dim3A_865 = vector.broadcast %broadcast_in_dim3A_864 : vector<1x192x32xf32> to vector<4x192x32xf32>
      %broadcast_in_dim3A_866 = vector.broadcast %jit3A_863 : f32 to vector<4x192x32xf32>
      %select_n3A_867 = arith.select %eq3A_861, %broadcast_in_dim3A_865, %broadcast_in_dim3A_866 : vector<4x192x32xi1>, vector<4x192x32xf32>
      %reduce_sum3A_868 = arith.constant dense<0.000000e+00> : vector<4x192xf32>
      %reduce_sum3A_869 = vector.multi_reduction <add>, %select_n3A_867, %reduce_sum3A_868 [2] : vector<4x192x32xf32> to vector<4x192xf32>
      %broadcast_in_dim3A_870 = vector.shape_cast %reduce_sum3A_869 : vector<4x192xf32> to vector<4x192x1xf32>
      %get3A_871 = arith.constant 2 : index
      %get3A_872 = arith.constant 0 : index
      %get3A_873 = arith.constant 0 : index
      %get3A_874 = arith.constant 0 : index
      %get3A_875 = vector.load %arg3[%get3A_871, %get3A_872, %get3A_873, %get3A_874] : memref<4x4x192x1024xf32, #tpu.memory_space<vmem>>, vector<1x4x192x1024xf32>
      %get3A_876 = vector.shape_cast %get3A_875 : vector<1x4x192x1024xf32> to vector<4x192x1024xf32>
      %add3A_877 = vector.broadcast %broadcast_in_dim3A_870 : vector<4x192x1xf32> to vector<4x192x1024xf32>
      %add3A_878 = arith.addf %get3A_876, %add3A_877 : vector<4x192x1024xf32>
      %swap3A_879 = arith.constant 2 : index
      %swap3A_880 = arith.constant 0 : index
      %swap3A_881 = arith.constant 0 : index
      %swap3A_882 = arith.constant 0 : index
      %swap3A_883 = vector.load %arg4[%swap3A_879, %swap3A_880, %swap3A_881, %swap3A_882] : memref<4x4x192x1024xf32, #tpu.memory_space<vmem>>, vector<1x4x192x1024xf32>
      %swap3A_884 = vector.shape_cast %swap3A_883 : vector<1x4x192x1024xf32> to vector<4x192x1024xf32>
      %swap3A_885 = vector.shape_cast %add3A_878 : vector<4x192x1024xf32> to vector<1x4x192x1024xf32>
      tpu.vector_store %arg4[%swap3A_879, %swap3A_880, %swap3A_881, %swap3A_882], %swap3A_885 {strides = array<i32>} : memref<4x4x192x1024xf32, #tpu.memory_space<vmem>>, vector<1x4x192x1024xf32>,
      %jit3A_886 = arith.constant 4 : i32
      %div3A_887 = arith.divsi %add3A_777, %jit3A_886 : i32
      %sign3A_888 = arith.constant 0 : i32
      %sign3A_889 = arith.cmpi sgt, %add3A_777, %sign3A_888 : i32
      %sign3A_890 = arith.extui %sign3A_889 : i1 to i32
      %sign3A_891 = arith.constant 0 : i32
      %sign3A_892 = arith.cmpi slt, %add3A_777, %sign3A_891 : i32
      %sign3A_893 = arith.extui %sign3A_892 : i1 to i32
      %sign3A_894 = arith.subi %sign3A_890, %sign3A_893 : i32
      %sign3A_895 = arith.constant 0 : i32
      %sign3A_896 = arith.cmpi sgt, %jit3A_886, %sign3A_895 : i32
      %sign3A_897 = arith.extui %sign3A_896 : i1 to i32
      %sign3A_898 = arith.constant 0 : i32
      %sign3A_899 = arith.cmpi slt, %jit3A_886, %sign3A_898 : i32
      %sign3A_900 = arith.extui %sign3A_899 : i1 to i32
      %sign3A_901 = arith.subi %sign3A_897, %sign3A_900 : i32
      %ne3A_902 = arith.cmpi ne, %sign3A_894, %sign3A_901 : i32
      %rem3A_903 = arith.remsi %add3A_777, %jit3A_886 : i32
      %ne3A_904 = arith.constant 0 : i32
      %ne3A_905 = arith.cmpi ne, %rem3A_903, %ne3A_904 : i32
      %and3A_906 = arith.andi %ne3A_902, %ne3A_905 : i1
      %sub3A_907 = arith.constant 1 : i32
      %sub3A_908 = arith.subi %div3A_887, %sub3A_907 : i32
      %select_n3A_909 = arith.select %and3A_906, %sub3A_908, %div3A_887 : i32
      %mul3A_910 = arith.constant 4 : i32
      %mul3A_911 = arith.muli %select_n3A_909, %mul3A_910 : i32
      %rem3A_912 = arith.constant 4 : i32
      %rem3A_913 = arith.remsi %add3A_777, %rem3A_912 : i32
      %mul3A_914 = arith.constant 192 : i32
      %mul3A_915 = arith.muli %rem3A_913, %mul3A_914 : i32
      %dma_start3A_916 = arith.constant 2 : i32
      %dma_start3A_917 = arith.constant 2 : i32
      %dma_start3A_918 = tpu.memref_slice %arg6[%dma_start3A_917] : memref<4x!tpu.dma_semaphore, #tpu.memory_space<semaphore_mem>> -> memref<1x!tpu.dma_semaphore, #tpu.memory_space<semaphore_mem>>
      %dma_start3A_919 = tpu.memref_squeeze %dma_start3A_918 : memref<1x!tpu.dma_semaphore, #tpu.memory_space<semaphore_mem>> -> memref<!tpu.dma_semaphore, #tpu.memory_space<semaphore_mem>>
      %dma_start3A_920 = arith.constant 0 : i32
      %dma_start3A_921 = tpu.memref_slice %arg2[%mul3A_911, %mul3A_915, %dma_start3A_920] : memref<32x768x1024xf32, #tpu.memory_space<hbm>> -> memref<4x192x1024xf32, #tpu.memory_space<hbm>>
      %dma_start3A_922 = arith.constant 0 : i32
      %dma_start3A_923 = arith.constant 0 : i32
      %dma_start3A_924 = arith.constant 0 : i32
      %dma_start3A_925 = tpu.memref_slice %arg4[%dma_start3A_916, %dma_start3A_922, %dma_start3A_923, %dma_start3A_924] : memref<4x4x192x1024xf32, #tpu.memory_space<vmem>> -> memref<1x4x192x1024xf32, #tpu.memory_space<vmem>>
      %dma_start3A_926 = tpu.memref_squeeze %dma_start3A_925 : memref<1x4x192x1024xf32, #tpu.memory_space<vmem>> -> memref<4x192x1024xf32, #tpu.memory_space<vmem>>
      tpu.enqueue_dma source(%dma_start3A_926 : memref<4x192x1024xf32, #tpu.memory_space<vmem>>) target(%dma_start3A_921 : memref<4x192x1024xf32, #tpu.memory_space<hbm>>) target_semaphore(%dma_start3A_919 : memref<!tpu.dma_semaphore, #tpu.memory_space<semaphore_mem>>)
      %add3A_927 = arith.constant 4 : i32
      %add3A_928 = arith.addi %add3A_748, %add3A_927 : i32
      %lt3A_929 = arith.constant 32 : i32
      %lt3A_930 = arith.cmpi slt, %add3A_928, %lt3A_929 : i32
      %convert_element_type3A_931 = arith.extui %lt3A_930 : i1 to i32
      %cond3A_932 = arith.constant 0 : i32
      %cond3A_933 = arith.cmpi ne, %convert_element_type3A_931, %cond3A_932 : i32
      scf.if %cond3A_933 {
        %add3A_1123 = arith.constant 4 : i32
        %add3A_1124 = arith.addi %add3A_748, %add3A_1123 : i32
        %rem3A_1125 = arith.constant 4 : i32
        %rem3A_1126 = arith.remsi %add3A_1124, %rem3A_1125 : i32
        %mul3A_1127 = arith.constant 8 : i32
        %mul3A_1128 = arith.muli %rem3A_1126, %mul3A_1127 : i32
        %jit3A_1129 = arith.constant 4 : i32
        %div3A_1130 = arith.divsi %add3A_1124, %jit3A_1129 : i32
        %sign3A_1131 = arith.constant 0 : i32
        %sign3A_1132 = arith.cmpi sgt, %add3A_1124, %sign3A_1131 : i32
        %sign3A_1133 = arith.extui %sign3A_1132 : i1 to i32
        %sign3A_1134 = arith.constant 0 : i32
        %sign3A_1135 = arith.cmpi slt, %add3A_1124, %sign3A_1134 : i32
        %sign3A_1136 = arith.extui %sign3A_1135 : i1 to i32
        %sign3A_1137 = arith.subi %sign3A_1133, %sign3A_1136 : i32
        %sign3A_1138 = arith.constant 0 : i32
        %sign3A_1139 = arith.cmpi sgt, %jit3A_1129, %sign3A_1138 : i32
        %sign3A_1140 = arith.extui %sign3A_1139 : i1 to i32
        %sign3A_1141 = arith.constant 0 : i32
        %sign3A_1142 = arith.cmpi slt, %jit3A_1129, %sign3A_1141 : i32
        %sign3A_1143 = arith.extui %sign3A_1142 : i1 to i32
        %sign3A_1144 = arith.subi %sign3A_1140, %sign3A_1143 : i32
        %ne3A_1145 = arith.cmpi ne, %sign3A_1137, %sign3A_1144 : i32
        %rem3A_1146 = arith.remsi %add3A_1124, %jit3A_1129 : i32
        %ne3A_1147 = arith.constant 0 : i32
        %ne3A_1148 = arith.cmpi ne, %rem3A_1146, %ne3A_1147 : i32
        %and3A_1149 = arith.andi %ne3A_1145, %ne3A_1148 : i1
        %sub3A_1150 = arith.constant 1 : i32
        %sub3A_1151 = arith.subi %div3A_1130, %sub3A_1150 : i32
        %select_n3A_1152 = arith.select %and3A_1149, %sub3A_1151, %div3A_1130 : i32
        %add3A_1153 = arith.addi %mul3A_1128, %select_n3A_1152 : i32
        %jit3A_1154 = arith.constant 4 : i32
        %div3A_1155 = arith.divsi %add3A_1153, %jit3A_1154 : i32
        %sign3A_1156 = arith.constant 0 : i32
        %sign3A_1157 = arith.cmpi sgt, %add3A_1153, %sign3A_1156 : i32
        %sign3A_1158 = arith.extui %sign3A_1157 : i1 to i32
        %sign3A_1159 = arith.constant 0 : i32
        %sign3A_1160 = arith.cmpi slt, %add3A_1153, %sign3A_1159 : i32
        %sign3A_1161 = arith.extui %sign3A_1160 : i1 to i32
        %sign3A_1162 = arith.subi %sign3A_1158, %sign3A_1161 : i32
        %sign3A_1163 = arith.constant 0 : i32
        %sign3A_1164 = arith.cmpi sgt, %jit3A_1154, %sign3A_1163 : i32
        %sign3A_1165 = arith.extui %sign3A_1164 : i1 to i32
        %sign3A_1166 = arith.constant 0 : i32
        %sign3A_1167 = arith.cmpi slt, %jit3A_1154, %sign3A_1166 : i32
        %sign3A_1168 = arith.extui %sign3A_1167 : i1 to i32
        %sign3A_1169 = arith.subi %sign3A_1165, %sign3A_1168 : i32
        %ne3A_1170 = arith.cmpi ne, %sign3A_1162, %sign3A_1169 : i32
        %rem3A_1171 = arith.remsi %add3A_1153, %jit3A_1154 : i32
        %ne3A_1172 = arith.constant 0 : i32
        %ne3A_1173 = arith.cmpi ne, %rem3A_1171, %ne3A_1172 : i32
        %and3A_1174 = arith.andi %ne3A_1170, %ne3A_1173 : i1
        %sub3A_1175 = arith.constant 1 : i32
        %sub3A_1176 = arith.subi %div3A_1155, %sub3A_1175 : i32
        %select_n3A_1177 = arith.select %and3A_1174, %sub3A_1176, %div3A_1155 : i32
        %mul3A_1178 = arith.constant 4 : i32
        %mul3A_1179 = arith.muli %select_n3A_1177, %mul3A_1178 : i32
        %rem3A_1180 = arith.constant 4 : i32
        %rem3A_1181 = arith.remsi %add3A_1153, %rem3A_1180 : i32
        %mul3A_1182 = arith.constant 192 : i32
        %mul3A_1183 = arith.muli %rem3A_1181, %mul3A_1182 : i32
        %dma_start3A_1184 = arith.constant 2 : i32
        %dma_start3A_1185 = arith.constant 2 : i32
        %dma_start3A_1186 = tpu.memref_slice %arg5[%dma_start3A_1185] : memref<4x!tpu.dma_semaphore, #tpu.memory_space<semaphore_mem>> -> memref<1x!tpu.dma_semaphore, #tpu.memory_space<semaphore_mem>>
        %dma_start3A_1187 = tpu.memref_squeeze %dma_start3A_1186 : memref<1x!tpu.dma_semaphore, #tpu.memory_space<semaphore_mem>> -> memref<!tpu.dma_semaphore, #tpu.memory_space<semaphore_mem>>
        %dma_start3A_1188 = arith.constant 0 : i32
        %dma_start3A_1189 = arith.constant 0 : i32
        %dma_start3A_1190 = arith.constant 0 : i32
        %dma_start3A_1191 = tpu.memref_slice %arg3[%dma_start3A_1184, %dma_start3A_1188, %dma_start3A_1189, %dma_start3A_1190] : memref<4x4x192x1024xf32, #tpu.memory_space<vmem>> -> memref<1x4x192x1024xf32, #tpu.memory_space<vmem>>
        %dma_start3A_1192 = tpu.memref_squeeze %dma_start3A_1191 : memref<1x4x192x1024xf32, #tpu.memory_space<vmem>> -> memref<4x192x1024xf32, #tpu.memory_space<vmem>>
        %dma_start3A_1193 = arith.constant 0 : i32
        %dma_start3A_1194 = tpu.memref_slice %arg1[%mul3A_1179, %mul3A_1183, %dma_start3A_1193] : memref<32x768x1024xf32, #tpu.memory_space<hbm>> -> memref<4x192x1024xf32, #tpu.memory_space<hbm>>
        tpu.enqueue_dma source(%dma_start3A_1194 : memref<4x192x1024xf32, #tpu.memory_space<hbm>>) target(%dma_start3A_1192 : memref<4x192x1024xf32, #tpu.memory_space<vmem>>) target_semaphore(%dma_start3A_1187 : memref<!tpu.dma_semaphore, #tpu.memory_space<semaphore_mem>>)
      } else {
      }
      %mul3A_934 = arith.constant 4 : i32
      %mul3A_935 = arith.muli %scan3A_376, %mul3A_934 : i32
      %add3A_936 = arith.constant 3 : i32
      %add3A_937 = arith.addi %mul3A_935, %add3A_936 : i32
      %rem3A_938 = arith.constant 4 : i32
      %rem3A_939 = arith.remsi %add3A_937, %rem3A_938 : i32
      %mul3A_940 = arith.constant 8 : i32
      %mul3A_941 = arith.muli %rem3A_939, %mul3A_940 : i32
      %jit3A_942 = arith.constant 4 : i32
      %div3A_943 = arith.divsi %add3A_937, %jit3A_942 : i32
      %sign3A_944 = arith.constant 0 : i32
      %sign3A_945 = arith.cmpi sgt, %add3A_937, %sign3A_944 : i32
      %sign3A_946 = arith.extui %sign3A_945 : i1 to i32
      %sign3A_947 = arith.constant 0 : i32
      %sign3A_948 = arith.cmpi slt, %add3A_937, %sign3A_947 : i32
      %sign3A_949 = arith.extui %sign3A_948 : i1 to i32
      %sign3A_950 = arith.subi %sign3A_946, %sign3A_949 : i32
      %sign3A_951 = arith.constant 0 : i32
      %sign3A_952 = arith.cmpi sgt, %jit3A_942, %sign3A_951 : i32
      %sign3A_953 = arith.extui %sign3A_952 : i1 to i32
      %sign3A_954 = arith.constant 0 : i32
      %sign3A_955 = arith.cmpi slt, %jit3A_942, %sign3A_954 : i32
      %sign3A_956 = arith.extui %sign3A_955 : i1 to i32
      %sign3A_957 = arith.subi %sign3A_953, %sign3A_956 : i32
      %ne3A_958 = arith.cmpi ne, %sign3A_950, %sign3A_957 : i32
      %rem3A_959 = arith.remsi %add3A_937, %jit3A_942 : i32
      %ne3A_960 = arith.constant 0 : i32
      %ne3A_961 = arith.cmpi ne, %rem3A_959, %ne3A_960 : i32
      %and3A_962 = arith.andi %ne3A_958, %ne3A_961 : i1
      %sub3A_963 = arith.constant 1 : i32
      %sub3A_964 = arith.subi %div3A_943, %sub3A_963 : i32
      %select_n3A_965 = arith.select %and3A_962, %sub3A_964, %div3A_943 : i32
      %add3A_966 = arith.addi %mul3A_941, %select_n3A_965 : i32
      %jit3A_967 = arith.constant 4 : i32
      %div3A_968 = arith.divsi %add3A_966, %jit3A_967 : i32
      %sign3A_969 = arith.constant 0 : i32
      %sign3A_970 = arith.cmpi sgt, %add3A_966, %sign3A_969 : i32
      %sign3A_971 = arith.extui %sign3A_970 : i1 to i32
      %sign3A_972 = arith.constant 0 : i32
      %sign3A_973 = arith.cmpi slt, %add3A_966, %sign3A_972 : i32
      %sign3A_974 = arith.extui %sign3A_973 : i1 to i32
      %sign3A_975 = arith.subi %sign3A_971, %sign3A_974 : i32
      %sign3A_976 = arith.constant 0 : i32
      %sign3A_977 = arith.cmpi sgt, %jit3A_967, %sign3A_976 : i32
      %sign3A_978 = arith.extui %sign3A_977 : i1 to i32
      %sign3A_979 = arith.constant 0 : i32
      %sign3A_980 = arith.cmpi slt, %jit3A_967, %sign3A_979 : i32
      %sign3A_981 = arith.extui %sign3A_980 : i1 to i32
      %sign3A_982 = arith.subi %sign3A_978, %sign3A_981 : i32
      %ne3A_983 = arith.cmpi ne, %sign3A_975, %sign3A_982 : i32
      %rem3A_984 = arith.remsi %add3A_966, %jit3A_967 : i32
      %ne3A_985 = arith.constant 0 : i32
      %ne3A_986 = arith.cmpi ne, %rem3A_984, %ne3A_985 : i32
      %and3A_987 = arith.andi %ne3A_983, %ne3A_986 : i1
      %sub3A_988 = arith.constant 1 : i32
      %sub3A_989 = arith.subi %div3A_968, %sub3A_988 : i32
      %select_n3A_990 = arith.select %and3A_987, %sub3A_989, %div3A_968 : i32
      %mul3A_991 = arith.constant 4 : i32
      %mul3A_992 = arith.muli %select_n3A_990, %mul3A_991 : i32
      %rem3A_993 = arith.constant 4 : i32
      %rem3A_994 = arith.remsi %add3A_966, %rem3A_993 : i32
      %mul3A_995 = arith.constant 192 : i32
      %mul3A_996 = arith.muli %rem3A_994, %mul3A_995 : i32
      %jit3A_997 = arith.constant 4 : i32
      %div3A_998 = arith.divsi %add3A_966, %jit3A_997 : i32
      %sign3A_999 = arith.constant 0 : i32
      %sign3A_1000 = arith.cmpi sgt, %add3A_966, %sign3A_999 : i32
      %sign3A_1001 = arith.extui %sign3A_1000 : i1 to i32
      %sign3A_1002 = arith.constant 0 : i32
      %sign3A_1003 = arith.cmpi slt, %add3A_966, %sign3A_1002 : i32
      %sign3A_1004 = arith.extui %sign3A_1003 : i1 to i32
      %sign3A_1005 = arith.subi %sign3A_1001, %sign3A_1004 : i32
      %sign3A_1006 = arith.constant 0 : i32
      %sign3A_1007 = arith.cmpi sgt, %jit3A_997, %sign3A_1006 : i32
      %sign3A_1008 = arith.extui %sign3A_1007 : i1 to i32
      %sign3A_1009 = arith.constant 0 : i32
      %sign3A_1010 = arith.cmpi slt, %jit3A_997, %sign3A_1009 : i32
      %sign3A_1011 = arith.extui %sign3A_1010 : i1 to i32
      %sign3A_1012 = arith.subi %sign3A_1008, %sign3A_1011 : i32
      %ne3A_1013 = arith.cmpi ne, %sign3A_1005, %sign3A_1012 : i32
      %rem3A_1014 = arith.remsi %add3A_966, %jit3A_997 : i32
      %ne3A_1015 = arith.constant 0 : i32
      %ne3A_1016 = arith.cmpi ne, %rem3A_1014, %ne3A_1015 : i32
      %and3A_1017 = arith.andi %ne3A_1013, %ne3A_1016 : i1
      %sub3A_1018 = arith.constant 1 : i32
      %sub3A_1019 = arith.subi %div3A_998, %sub3A_1018 : i32
      %select_n3A_1020 = arith.select %and3A_1017, %sub3A_1019, %div3A_998 : i32
      %mul3A_1021 = arith.constant 4 : i32
      %mul3A_1022 = arith.muli %select_n3A_1020, %mul3A_1021 : i32
      %rem3A_1023 = arith.constant 4 : i32
      %rem3A_1024 = arith.remsi %add3A_966, %rem3A_1023 : i32
      %mul3A_1025 = arith.constant 192 : i32
      %mul3A_1026 = arith.muli %rem3A_1024, %mul3A_1025 : i32
      %dma_wait3A_1027 = arith.constant 3 : i32
      %dma_wait3A_1028 = arith.constant 3 : i32
      %dma_wait3A_1029 = tpu.memref_slice %arg5[%dma_wait3A_1028] : memref<4x!tpu.dma_semaphore, #tpu.memory_space<semaphore_mem>> -> memref<1x!tpu.dma_semaphore, #tpu.memory_space<semaphore_mem>>
      %dma_wait3A_1030 = tpu.memref_squeeze %dma_wait3A_1029 : memref<1x!tpu.dma_semaphore, #tpu.memory_space<semaphore_mem>> -> memref<!tpu.dma_semaphore, #tpu.memory_space<semaphore_mem>>
      %dma_wait3A_1031 = arith.constant 0 : i32
      %dma_wait3A_1032 = arith.constant 0 : i32
      %dma_wait3A_1033 = arith.constant 0 : i32
      %dma_wait3A_1034 = tpu.memref_slice %arg3[%dma_wait3A_1027, %dma_wait3A_1031, %dma_wait3A_1032, %dma_wait3A_1033] : memref<4x4x192x1024xf32, #tpu.memory_space<vmem>> -> memref<1x4x192x1024xf32, #tpu.memory_space<vmem>>
      %dma_wait3A_1035 = tpu.memref_squeeze %dma_wait3A_1034 : memref<1x4x192x1024xf32, #tpu.memory_space<vmem>> -> memref<4x192x1024xf32, #tpu.memory_space<vmem>>
      %dma_wait3A_1036 = arith.constant 0 : i32
      %dma_wait3A_1037 = tpu.memref_slice %arg1[%mul3A_1022, %mul3A_1026, %dma_wait3A_1036] : memref<32x768x1024xf32, #tpu.memory_space<hbm>> -> memref<4x192x1024xf32, #tpu.memory_space<hbm>>
      tpu.wait_dma2 semaphore(%dma_wait3A_1030 : memref<!tpu.dma_semaphore, #tpu.memory_space<semaphore_mem>>) src(%dma_wait3A_1037 : memref<4x192x1024xf32, #tpu.memory_space<hbm>>) dst(%dma_wait3A_1035 : memref<4x192x1024xf32, #tpu.memory_space<vmem>>)
      %gt3A_1038 = arith.constant 0 : i32
      %gt3A_1039 = arith.cmpi sgt, %scan3A_376, %gt3A_1038 : i32
      %convert_element_type3A_1040 = arith.extui %gt3A_1039 : i1 to i32
      %cond3A_1041 = arith.constant 0 : i32
      %cond3A_1042 = arith.cmpi ne, %convert_element_type3A_1040, %cond3A_1041 : i32
      scf.if %cond3A_1042 {
        %sub3A_1123 = arith.constant 4 : i32
        %sub3A_1124 = arith.subi %add3A_937, %sub3A_1123 : i32
        %rem3A_1125 = arith.constant 4 : i32
        %rem3A_1126 = arith.remsi %sub3A_1124, %rem3A_1125 : i32
        %mul3A_1127 = arith.constant 8 : i32
        %mul3A_1128 = arith.muli %rem3A_1126, %mul3A_1127 : i32
        %jit3A_1129 = arith.constant 4 : i32
        %div3A_1130 = arith.divsi %sub3A_1124, %jit3A_1129 : i32
        %sign3A_1131 = arith.constant 0 : i32
        %sign3A_1132 = arith.cmpi sgt, %sub3A_1124, %sign3A_1131 : i32
        %sign3A_1133 = arith.extui %sign3A_1132 : i1 to i32
        %sign3A_1134 = arith.constant 0 : i32
        %sign3A_1135 = arith.cmpi slt, %sub3A_1124, %sign3A_1134 : i32
        %sign3A_1136 = arith.extui %sign3A_1135 : i1 to i32
        %sign3A_1137 = arith.subi %sign3A_1133, %sign3A_1136 : i32
        %sign3A_1138 = arith.constant 0 : i32
        %sign3A_1139 = arith.cmpi sgt, %jit3A_1129, %sign3A_1138 : i32
        %sign3A_1140 = arith.extui %sign3A_1139 : i1 to i32
        %sign3A_1141 = arith.constant 0 : i32
        %sign3A_1142 = arith.cmpi slt, %jit3A_1129, %sign3A_1141 : i32
        %sign3A_1143 = arith.extui %sign3A_1142 : i1 to i32
        %sign3A_1144 = arith.subi %sign3A_1140, %sign3A_1143 : i32
        %ne3A_1145 = arith.cmpi ne, %sign3A_1137, %sign3A_1144 : i32
        %rem3A_1146 = arith.remsi %sub3A_1124, %jit3A_1129 : i32
        %ne3A_1147 = arith.constant 0 : i32
        %ne3A_1148 = arith.cmpi ne, %rem3A_1146, %ne3A_1147 : i32
        %and3A_1149 = arith.andi %ne3A_1145, %ne3A_1148 : i1
        %sub3A_1150 = arith.constant 1 : i32
        %sub3A_1151 = arith.subi %div3A_1130, %sub3A_1150 : i32
        %select_n3A_1152 = arith.select %and3A_1149, %sub3A_1151, %div3A_1130 : i32
        %add3A_1153 = arith.addi %mul3A_1128, %select_n3A_1152 : i32
        %jit3A_1154 = arith.constant 4 : i32
        %div3A_1155 = arith.divsi %add3A_1153, %jit3A_1154 : i32
        %sign3A_1156 = arith.constant 0 : i32
        %sign3A_1157 = arith.cmpi sgt, %add3A_1153, %sign3A_1156 : i32
        %sign3A_1158 = arith.extui %sign3A_1157 : i1 to i32
        %sign3A_1159 = arith.constant 0 : i32
        %sign3A_1160 = arith.cmpi slt, %add3A_1153, %sign3A_1159 : i32
        %sign3A_1161 = arith.extui %sign3A_1160 : i1 to i32
        %sign3A_1162 = arith.subi %sign3A_1158, %sign3A_1161 : i32
        %sign3A_1163 = arith.constant 0 : i32
        %sign3A_1164 = arith.cmpi sgt, %jit3A_1154, %sign3A_1163 : i32
        %sign3A_1165 = arith.extui %sign3A_1164 : i1 to i32
        %sign3A_1166 = arith.constant 0 : i32
        %sign3A_1167 = arith.cmpi slt, %jit3A_1154, %sign3A_1166 : i32
        %sign3A_1168 = arith.extui %sign3A_1167 : i1 to i32
        %sign3A_1169 = arith.subi %sign3A_1165, %sign3A_1168 : i32
        %ne3A_1170 = arith.cmpi ne, %sign3A_1162, %sign3A_1169 : i32
        %rem3A_1171 = arith.remsi %add3A_1153, %jit3A_1154 : i32
        %ne3A_1172 = arith.constant 0 : i32
        %ne3A_1173 = arith.cmpi ne, %rem3A_1171, %ne3A_1172 : i32
        %and3A_1174 = arith.andi %ne3A_1170, %ne3A_1173 : i1
        %sub3A_1175 = arith.constant 1 : i32
        %sub3A_1176 = arith.subi %div3A_1155, %sub3A_1175 : i32
        %select_n3A_1177 = arith.select %and3A_1174, %sub3A_1176, %div3A_1155 : i32
        %mul3A_1178 = arith.constant 4 : i32
        %mul3A_1179 = arith.muli %select_n3A_1177, %mul3A_1178 : i32
        %rem3A_1180 = arith.constant 4 : i32
        %rem3A_1181 = arith.remsi %add3A_1153, %rem3A_1180 : i32
        %mul3A_1182 = arith.constant 192 : i32
        %mul3A_1183 = arith.muli %rem3A_1181, %mul3A_1182 : i32
        %dma_wait3A_1184 = arith.constant 3 : i32
        %dma_wait3A_1185 = arith.constant 3 : i32
        %dma_wait3A_1186 = tpu.memref_slice %arg6[%dma_wait3A_1185] : memref<4x!tpu.dma_semaphore, #tpu.memory_space<semaphore_mem>> -> memref<1x!tpu.dma_semaphore, #tpu.memory_space<semaphore_mem>>
        %dma_wait3A_1187 = tpu.memref_squeeze %dma_wait3A_1186 : memref<1x!tpu.dma_semaphore, #tpu.memory_space<semaphore_mem>> -> memref<!tpu.dma_semaphore, #tpu.memory_space<semaphore_mem>>
        %dma_wait3A_1188 = arith.constant 0 : i32
        %dma_wait3A_1189 = tpu.memref_slice %arg2[%mul3A_1179, %mul3A_1183, %dma_wait3A_1188] : memref<32x768x1024xf32, #tpu.memory_space<hbm>> -> memref<4x192x1024xf32, #tpu.memory_space<hbm>>
        %dma_wait3A_1190 = arith.constant 0 : i32
        %dma_wait3A_1191 = arith.constant 0 : i32
        %dma_wait3A_1192 = arith.constant 0 : i32
        %dma_wait3A_1193 = tpu.memref_slice %arg4[%dma_wait3A_1184, %dma_wait3A_1190, %dma_wait3A_1191, %dma_wait3A_1192] : memref<4x4x192x1024xf32, #tpu.memory_space<vmem>> -> memref<1x4x192x1024xf32, #tpu.memory_space<vmem>>
        %dma_wait3A_1194 = tpu.memref_squeeze %dma_wait3A_1193 : memref<1x4x192x1024xf32, #tpu.memory_space<vmem>> -> memref<4x192x1024xf32, #tpu.memory_space<vmem>>
        tpu.wait_dma2 semaphore(%dma_wait3A_1187 : memref<!tpu.dma_semaphore, #tpu.memory_space<semaphore_mem>>) src(%dma_wait3A_1194 : memref<4x192x1024xf32, #tpu.memory_space<vmem>>) dst(%dma_wait3A_1189 : memref<4x192x1024xf32, #tpu.memory_space<hbm>>)
      } else {
      }
      %get3A_1043 = arith.index_cast %mul3A_996 : i32 to index
      %get3A_1044 = arith.constant 0 : index
      %get3A_1045 = vector.load %arg0[%get3A_1043, %get3A_1044] : memref<768x32xf32, #tpu.memory_space<vmem>>, vector<192x32xf32>
      %iota3A_1046 = tpu.iota {dimensions = array<i32: 2>} : vector<4x192x32xi32>
      %iota3A_1047 = tpu.iota {dimensions = array<i32: 0>} : vector<4x192x32xi32>
      %add3A_1048 = vector.broadcast %mul3A_992 : i32 to vector<4x192x32xi32>
      %add3A_1049 = arith.addi %iota3A_1047, %add3A_1048 : vector<4x192x32xi32>
      %eq3A_1050 = arith.cmpi eq, %iota3A_1046, %add3A_1049 : vector<4x192x32xi32>
      %broadcast_in_dim3A_1051 = vector.shape_cast %get3A_1045 : vector<192x32xf32> to vector<1x192x32xf32>
      %jit3A_1052 = arith.constant 0.000000e+00 : f32
      %broadcast_in_dim3A_1053 = vector.shape_cast %broadcast_in_dim3A_1051 : vector<1x192x32xf32> to vector<1x192x32xf32>
      %broadcast_in_dim3A_1054 = vector.broadcast %broadcast_in_dim3A_1053 : vector<1x192x32xf32> to vector<4x192x32xf32>
      %broadcast_in_dim3A_1055 = vector.broadcast %jit3A_1052 : f32 to vector<4x192x32xf32>
      %select_n3A_1056 = arith.select %eq3A_1050, %broadcast_in_dim3A_1054, %broadcast_in_dim3A_1055 : vector<4x192x32xi1>, vector<4x192x32xf32>
      %reduce_sum3A_1057 = arith.constant dense<0.000000e+00> : vector<4x192xf32>
      %reduce_sum3A_1058 = vector.multi_reduction <add>, %select_n3A_1056, %reduce_sum3A_1057 [2] : vector<4x192x32xf32> to vector<4x192xf32>
      %broadcast_in_dim3A_1059 = vector.shape_cast %reduce_sum3A_1058 : vector<4x192xf32> to vector<4x192x1xf32>
      %get3A_1060 = arith.constant 3 : index
      %get3A_1061 = arith.constant 0 : index
      %get3A_1062 = arith.constant 0 : index
      %get3A_1063 = arith.constant 0 : index
      %get3A_1064 = vector.load %arg3[%get3A_1060, %get3A_1061, %get3A_1062, %get3A_1063] : memref<4x4x192x1024xf32, #tpu.memory_space<vmem>>, vector<1x4x192x1024xf32>
      %get3A_1065 = vector.shape_cast %get3A_1064 : vector<1x4x192x1024xf32> to vector<4x192x1024xf32>
      %add3A_1066 = vector.broadcast %broadcast_in_dim3A_1059 : vector<4x192x1xf32> to vector<4x192x1024xf32>
      %add3A_1067 = arith.addf %get3A_1065, %add3A_1066 : vector<4x192x1024xf32>
      %swap3A_1068 = arith.constant 3 : index
      %swap3A_1069 = arith.constant 0 : index
      %swap3A_1070 = arith.constant 0 : index
      %swap3A_1071 = arith.constant 0 : index
      %swap3A_1072 = vector.load %arg4[%swap3A_1068, %swap3A_1069, %swap3A_1070, %swap3A_1071] : memref<4x4x192x1024xf32, #tpu.memory_space<vmem>>, vector<1x4x192x1024xf32>
      %swap3A_1073 = vector.shape_cast %swap3A_1072 : vector<1x4x192x1024xf32> to vector<4x192x1024xf32>
      %swap3A_1074 = vector.shape_cast %add3A_1067 : vector<4x192x1024xf32> to vector<1x4x192x1024xf32>
      tpu.vector_store %arg4[%swap3A_1068, %swap3A_1069, %swap3A_1070, %swap3A_1071], %swap3A_1074 {strides = array<i32>} : memref<4x4x192x1024xf32, #tpu.memory_space<vmem>>, vector<1x4x192x1024xf32>,
      %jit3A_1075 = arith.constant 4 : i32
      %div3A_1076 = arith.divsi %add3A_966, %jit3A_1075 : i32
      %sign3A_1077 = arith.constant 0 : i32
      %sign3A_1078 = arith.cmpi sgt, %add3A_966, %sign3A_1077 : i32
      %sign3A_1079 = arith.extui %sign3A_1078 : i1 to i32
      %sign3A_1080 = arith.constant 0 : i32
      %sign3A_1081 = arith.cmpi slt, %add3A_966, %sign3A_1080 : i32
      %sign3A_1082 = arith.extui %sign3A_1081 : i1 to i32
      %sign3A_1083 = arith.subi %sign3A_1079, %sign3A_1082 : i32
      %sign3A_1084 = arith.constant 0 : i32
      %sign3A_1085 = arith.cmpi sgt, %jit3A_1075, %sign3A_1084 : i32
      %sign3A_1086 = arith.extui %sign3A_1085 : i1 to i32
      %sign3A_1087 = arith.constant 0 : i32
      %sign3A_1088 = arith.cmpi slt, %jit3A_1075, %sign3A_1087 : i32
      %sign3A_1089 = arith.extui %sign3A_1088 : i1 to i32
      %sign3A_1090 = arith.subi %sign3A_1086, %sign3A_1089 : i32
      %ne3A_1091 = arith.cmpi ne, %sign3A_1083, %sign3A_1090 : i32
      %rem3A_1092 = arith.remsi %add3A_966, %jit3A_1075 : i32
      %ne3A_1093 = arith.constant 0 : i32
      %ne3A_1094 = arith.cmpi ne, %rem3A_1092, %ne3A_1093 : i32
      %and3A_1095 = arith.andi %ne3A_1091, %ne3A_1094 : i1
      %sub3A_1096 = arith.constant 1 : i32
      %sub3A_1097 = arith.subi %div3A_1076, %sub3A_1096 : i32
      %select_n3A_1098 = arith.select %and3A_1095, %sub3A_1097, %div3A_1076 : i32
      %mul3A_1099 = arith.constant 4 : i32
      %mul3A_1100 = arith.muli %select_n3A_1098, %mul3A_1099 : i32
      %rem3A_1101 = arith.constant 4 : i32
      %rem3A_1102 = arith.remsi %add3A_966, %rem3A_1101 : i32
      %mul3A_1103 = arith.constant 192 : i32
      %mul3A_1104 = arith.muli %rem3A_1102, %mul3A_1103 : i32
      %dma_start3A_1105 = arith.constant 3 : i32
      %dma_start3A_1106 = arith.constant 3 : i32
      %dma_start3A_1107 = tpu.memref_slice %arg6[%dma_start3A_1106] : memref<4x!tpu.dma_semaphore, #tpu.memory_space<semaphore_mem>> -> memref<1x!tpu.dma_semaphore, #tpu.memory_space<semaphore_mem>>
      %dma_start3A_1108 = tpu.memref_squeeze %dma_start3A_1107 : memref<1x!tpu.dma_semaphore, #tpu.memory_space<semaphore_mem>> -> memref<!tpu.dma_semaphore, #tpu.memory_space<semaphore_mem>>
      %dma_start3A_1109 = arith.constant 0 : i32
      %dma_start3A_1110 = tpu.memref_slice %arg2[%mul3A_1100, %mul3A_1104, %dma_start3A_1109] : memref<32x768x1024xf32, #tpu.memory_space<hbm>> -> memref<4x192x1024xf32, #tpu.memory_space<hbm>>
      %dma_start3A_1111 = arith.constant 0 : i32
      %dma_start3A_1112 = arith.constant 0 : i32
      %dma_start3A_1113 = arith.constant 0 : i32
      %dma_start3A_1114 = tpu.memref_slice %arg4[%dma_start3A_1105, %dma_start3A_1111, %dma_start3A_1112, %dma_start3A_1113] : memref<4x4x192x1024xf32, #tpu.memory_space<vmem>> -> memref<1x4x192x1024xf32, #tpu.memory_space<vmem>>
      %dma_start3A_1115 = tpu.memref_squeeze %dma_start3A_1114 : memref<1x4x192x1024xf32, #tpu.memory_space<vmem>> -> memref<4x192x1024xf32, #tpu.memory_space<vmem>>
      tpu.enqueue_dma source(%dma_start3A_1115 : memref<4x192x1024xf32, #tpu.memory_space<vmem>>) target(%dma_start3A_1110 : memref<4x192x1024xf32, #tpu.memory_space<hbm>>) target_semaphore(%dma_start3A_1108 : memref<!tpu.dma_semaphore, #tpu.memory_space<semaphore_mem>>) {priority = 1 : i32}
      %add3A_1116 = arith.constant 4 : i32
      %add3A_1117 = arith.addi %add3A_937, %add3A_1116 : i32
      %lt3A_1118 = arith.constant 32 : i32
      %lt3A_1119 = arith.cmpi slt, %add3A_1117, %lt3A_1118 : i32
      %convert_element_type3A_1120 = arith.extui %lt3A_1119 : i1 to i32
      %cond3A_1121 = arith.constant 0 : i32
      %cond3A_1122 = arith.cmpi ne, %convert_element_type3A_1120, %cond3A_1121 : i32
      scf.if %cond3A_1122 {
        %add3A_1123 = arith.constant 4 : i32
        %add3A_1124 = arith.addi %add3A_937, %add3A_1123 : i32
        %rem3A_1125 = arith.constant 4 : i32
        %rem3A_1126 = arith.remsi %add3A_1124, %rem3A_1125 : i32
        %mul3A_1127 = arith.constant 8 : i32
        %mul3A_1128 = arith.muli %rem3A_1126, %mul3A_1127 : i32
        %jit3A_1129 = arith.constant 4 : i32
        %div3A_1130 = arith.divsi %add3A_1124, %jit3A_1129 : i32
        %sign3A_1131 = arith.constant 0 : i32
        %sign3A_1132 = arith.cmpi sgt, %add3A_1124, %sign3A_1131 : i32
        %sign3A_1133 = arith.extui %sign3A_1132 : i1 to i32
        %sign3A_1134 = arith.constant 0 : i32
        %sign3A_1135 = arith.cmpi slt, %add3A_1124, %sign3A_1134 : i32
        %sign3A_1136 = arith.extui %sign3A_1135 : i1 to i32
        %sign3A_1137 = arith.subi %sign3A_1133, %sign3A_1136 : i32
        %sign3A_1138 = arith.constant 0 : i32
        %sign3A_1139 = arith.cmpi sgt, %jit3A_1129, %sign3A_1138 : i32
        %sign3A_1140 = arith.extui %sign3A_1139 : i1 to i32
        %sign3A_1141 = arith.constant 0 : i32
        %sign3A_1142 = arith.cmpi slt, %jit3A_1129, %sign3A_1141 : i32
        %sign3A_1143 = arith.extui %sign3A_1142 : i1 to i32
        %sign3A_1144 = arith.subi %sign3A_1140, %sign3A_1143 : i32
        %ne3A_1145 = arith.cmpi ne, %sign3A_1137, %sign3A_1144 : i32
        %rem3A_1146 = arith.remsi %add3A_1124, %jit3A_1129 : i32
        %ne3A_1147 = arith.constant 0 : i32
        %ne3A_1148 = arith.cmpi ne, %rem3A_1146, %ne3A_1147 : i32
        %and3A_1149 = arith.andi %ne3A_1145, %ne3A_1148 : i1
        %sub3A_1150 = arith.constant 1 : i32
        %sub3A_1151 = arith.subi %div3A_1130, %sub3A_1150 : i32
        %select_n3A_1152 = arith.select %and3A_1149, %sub3A_1151, %div3A_1130 : i32
        %add3A_1153 = arith.addi %mul3A_1128, %select_n3A_1152 : i32
        %jit3A_1154 = arith.constant 4 : i32
        %div3A_1155 = arith.divsi %add3A_1153, %jit3A_1154 : i32
        %sign3A_1156 = arith.constant 0 : i32
        %sign3A_1157 = arith.cmpi sgt, %add3A_1153, %sign3A_1156 : i32
        %sign3A_1158 = arith.extui %sign3A_1157 : i1 to i32
        %sign3A_1159 = arith.constant 0 : i32
        %sign3A_1160 = arith.cmpi slt, %add3A_1153, %sign3A_1159 : i32
        %sign3A_1161 = arith.extui %sign3A_1160 : i1 to i32
        %sign3A_1162 = arith.subi %sign3A_1158, %sign3A_1161 : i32
        %sign3A_1163 = arith.constant 0 : i32
        %sign3A_1164 = arith.cmpi sgt, %jit3A_1154, %sign3A_1163 : i32
        %sign3A_1165 = arith.extui %sign3A_1164 : i1 to i32
        %sign3A_1166 = arith.constant 0 : i32
        %sign3A_1167 = arith.cmpi slt, %jit3A_1154, %sign3A_1166 : i32
        %sign3A_1168 = arith.extui %sign3A_1167 : i1 to i32
        %sign3A_1169 = arith.subi %sign3A_1165, %sign3A_1168 : i32
        %ne3A_1170 = arith.cmpi ne, %sign3A_1162, %sign3A_1169 : i32
        %rem3A_1171 = arith.remsi %add3A_1153, %jit3A_1154 : i32
        %ne3A_1172 = arith.constant 0 : i32
        %ne3A_1173 = arith.cmpi ne, %rem3A_1171, %ne3A_1172 : i32
        %and3A_1174 = arith.andi %ne3A_1170, %ne3A_1173 : i1
        %sub3A_1175 = arith.constant 1 : i32
        %sub3A_1176 = arith.subi %div3A_1155, %sub3A_1175 : i32
        %select_n3A_1177 = arith.select %and3A_1174, %sub3A_1176, %div3A_1155 : i32
        %mul3A_1178 = arith.constant 4 : i32
        %mul3A_1179 = arith.muli %select_n3A_1177, %mul3A_1178 : i32
        %rem3A_1180 = arith.constant 4 : i32
        %rem3A_1181 = arith.remsi %add3A_1153, %rem3A_1180 : i32
        %mul3A_1182 = arith.constant 192 : i32
        %mul3A_1183 = arith.muli %rem3A_1181, %mul3A_1182 : i32
        %dma_start3A_1184 = arith.constant 3 : i32
        %dma_start3A_1185 = arith.constant 3 : i32
        %dma_start3A_1186 = tpu.memref_slice %arg5[%dma_start3A_1185] : memref<4x!tpu.dma_semaphore, #tpu.memory_space<semaphore_mem>> -> memref<1x!tpu.dma_semaphore, #tpu.memory_space<semaphore_mem>>
        %dma_start3A_1187 = tpu.memref_squeeze %dma_start3A_1186 : memref<1x!tpu.dma_semaphore, #tpu.memory_space<semaphore_mem>> -> memref<!tpu.dma_semaphore, #tpu.memory_space<semaphore_mem>>
        %dma_start3A_1188 = arith.constant 0 : i32
        %dma_start3A_1189 = arith.constant 0 : i32
        %dma_start3A_1190 = arith.constant 0 : i32
        %dma_start3A_1191 = tpu.memref_slice %arg3[%dma_start3A_1184, %dma_start3A_1188, %dma_start3A_1189, %dma_start3A_1190] : memref<4x4x192x1024xf32, #tpu.memory_space<vmem>> -> memref<1x4x192x1024xf32, #tpu.memory_space<vmem>>
        %dma_start3A_1192 = tpu.memref_squeeze %dma_start3A_1191 : memref<1x4x192x1024xf32, #tpu.memory_space<vmem>> -> memref<4x192x1024xf32, #tpu.memory_space<vmem>>
        %dma_start3A_1193 = arith.constant 0 : i32
        %dma_start3A_1194 = tpu.memref_slice %arg1[%mul3A_1179, %mul3A_1183, %dma_start3A_1193] : memref<32x768x1024xf32, #tpu.memory_space<hbm>> -> memref<4x192x1024xf32, #tpu.memory_space<hbm>>
        tpu.enqueue_dma source(%dma_start3A_1194 : memref<4x192x1024xf32, #tpu.memory_space<hbm>>) target(%dma_start3A_1192 : memref<4x192x1024xf32, #tpu.memory_space<vmem>>) target_semaphore(%dma_start3A_1187 : memref<!tpu.dma_semaphore, #tpu.memory_space<semaphore_mem>>) {priority = 1 : i32}
      } else {
      }
    }
    %scan3A_184 = arith.constant 8 : i32
    %rem3A_185 = arith.constant 28 : i32
    %rem3A_186 = arith.constant 4 : i32
    %rem3A_187 = arith.remsi %rem3A_185, %rem3A_186 : i32
    %mul3A_188 = arith.constant 8 : i32
    %mul3A_189 = arith.muli %rem3A_187, %mul3A_188 : i32
    %add3A_190 = arith.constant 7 : i32
    %add3A_191 = arith.addi %mul3A_189, %add3A_190 : i32
    %jit3A_192 = arith.constant 4 : i32
    %div3A_193 = arith.divsi %add3A_191, %jit3A_192 : i32
    %sign3A_194 = arith.constant 0 : i32
    %sign3A_195 = arith.cmpi sgt, %add3A_191, %sign3A_194 : i32
    %sign3A_196 = arith.extui %sign3A_195 : i1 to i32
    %sign3A_197 = arith.constant 0 : i32
    %sign3A_198 = arith.cmpi slt, %add3A_191, %sign3A_197 : i32
    %sign3A_199 = arith.extui %sign3A_198 : i1 to i32
    %sign3A_200 = arith.subi %sign3A_196, %sign3A_199 : i32
    %sign3A_201 = arith.constant 0 : i32
    %sign3A_202 = arith.cmpi sgt, %jit3A_192, %sign3A_201 : i32
    %sign3A_203 = arith.extui %sign3A_202 : i1 to i32
    %sign3A_204 = arith.constant 0 : i32
    %sign3A_205 = arith.cmpi slt, %jit3A_192, %sign3A_204 : i32
    %sign3A_206 = arith.extui %sign3A_205 : i1 to i32
    %sign3A_207 = arith.subi %sign3A_203, %sign3A_206 : i32
    %ne3A_208 = arith.cmpi ne, %sign3A_200, %sign3A_207 : i32
    %rem3A_209 = arith.remsi %add3A_191, %jit3A_192 : i32
    %ne3A_210 = arith.constant 0 : i32
    %ne3A_211 = arith.cmpi ne, %rem3A_209, %ne3A_210 : i32
    %and3A_212 = arith.andi %ne3A_208, %ne3A_211 : i1
    %sub3A_213 = arith.constant 1 : i32
    %sub3A_214 = arith.subi %div3A_193, %sub3A_213 : i32
    %select_n3A_215 = arith.select %and3A_212, %sub3A_214, %div3A_193 : i32
    %mul3A_216 = arith.constant 4 : i32
    %mul3A_217 = arith.muli %select_n3A_215, %mul3A_216 : i32
    %rem3A_218 = arith.constant 4 : i32
    %rem3A_219 = arith.remsi %add3A_191, %rem3A_218 : i32
    %mul3A_220 = arith.constant 192 : i32
    %mul3A_221 = arith.muli %rem3A_219, %mul3A_220 : i32
    %dma_wait3A = arith.constant 0 : i32
    %dma_wait3A_222 = arith.constant 0 : i32
    %dma_wait3A_223 = tpu.memref_slice %arg6[%dma_wait3A_222] : memref<4x!tpu.dma_semaphore, #tpu.memory_space<semaphore_mem>> -> memref<1x!tpu.dma_semaphore, #tpu.memory_space<semaphore_mem>>
    %dma_wait3A_224 = tpu.memref_squeeze %dma_wait3A_223 : memref<1x!tpu.dma_semaphore, #tpu.memory_space<semaphore_mem>> -> memref<!tpu.dma_semaphore, #tpu.memory_space<semaphore_mem>>
    %dma_wait3A_225 = arith.constant 0 : i32
    %dma_wait3A_226 = tpu.memref_slice %arg2[%mul3A_217, %mul3A_221, %dma_wait3A_225] : memref<32x768x1024xf32, #tpu.memory_space<hbm>> -> memref<4x192x1024xf32, #tpu.memory_space<hbm>>
    %dma_wait3A_227 = arith.constant 0 : i32
    %dma_wait3A_228 = arith.constant 0 : i32
    %dma_wait3A_229 = arith.constant 0 : i32
    %dma_wait3A_230 = tpu.memref_slice %arg4[%dma_wait3A, %dma_wait3A_227, %dma_wait3A_228, %dma_wait3A_229] : memref<4x4x192x1024xf32, #tpu.memory_space<vmem>> -> memref<1x4x192x1024xf32, #tpu.memory_space<vmem>>
    %dma_wait3A_231 = tpu.memref_squeeze %dma_wait3A_230 : memref<1x4x192x1024xf32, #tpu.memory_space<vmem>> -> memref<4x192x1024xf32, #tpu.memory_space<vmem>>
    tpu.wait_dma2 semaphore(%dma_wait3A_224 : memref<!tpu.dma_semaphore, #tpu.memory_space<semaphore_mem>>) src(%dma_wait3A_231 : memref<4x192x1024xf32, #tpu.memory_space<vmem>>) dst(%dma_wait3A_226 : memref<4x192x1024xf32, #tpu.memory_space<hbm>>)
    %rem3A_232 = arith.constant 29 : i32
    %rem3A_233 = arith.constant 4 : i32
    %rem3A_234 = arith.remsi %rem3A_232, %rem3A_233 : i32
    %mul3A_235 = arith.constant 8 : i32
    %mul3A_236 = arith.muli %rem3A_234, %mul3A_235 : i32
    %add3A_237 = arith.constant 7 : i32
    %add3A_238 = arith.addi %mul3A_236, %add3A_237 : i32
    %jit3A_239 = arith.constant 4 : i32
    %div3A_240 = arith.divsi %add3A_238, %jit3A_239 : i32
    %sign3A_241 = arith.constant 0 : i32
    %sign3A_242 = arith.cmpi sgt, %add3A_238, %sign3A_241 : i32
    %sign3A_243 = arith.extui %sign3A_242 : i1 to i32
    %sign3A_244 = arith.constant 0 : i32
    %sign3A_245 = arith.cmpi slt, %add3A_238, %sign3A_244 : i32
    %sign3A_246 = arith.extui %sign3A_245 : i1 to i32
    %sign3A_247 = arith.subi %sign3A_243, %sign3A_246 : i32
    %sign3A_248 = arith.constant 0 : i32
    %sign3A_249 = arith.cmpi sgt, %jit3A_239, %sign3A_248 : i32
    %sign3A_250 = arith.extui %sign3A_249 : i1 to i32
    %sign3A_251 = arith.constant 0 : i32
    %sign3A_252 = arith.cmpi slt, %jit3A_239, %sign3A_251 : i32
    %sign3A_253 = arith.extui %sign3A_252 : i1 to i32
    %sign3A_254 = arith.subi %sign3A_250, %sign3A_253 : i32
    %ne3A_255 = arith.cmpi ne, %sign3A_247, %sign3A_254 : i32
    %rem3A_256 = arith.remsi %add3A_238, %jit3A_239 : i32
    %ne3A_257 = arith.constant 0 : i32
    %ne3A_258 = arith.cmpi ne, %rem3A_256, %ne3A_257 : i32
    %and3A_259 = arith.andi %ne3A_255, %ne3A_258 : i1
    %sub3A_260 = arith.constant 1 : i32
    %sub3A_261 = arith.subi %div3A_240, %sub3A_260 : i32
    %select_n3A_262 = arith.select %and3A_259, %sub3A_261, %div3A_240 : i32
    %mul3A_263 = arith.constant 4 : i32
    %mul3A_264 = arith.muli %select_n3A_262, %mul3A_263 : i32
    %rem3A_265 = arith.constant 4 : i32
    %rem3A_266 = arith.remsi %add3A_238, %rem3A_265 : i32
    %mul3A_267 = arith.constant 192 : i32
    %mul3A_268 = arith.muli %rem3A_266, %mul3A_267 : i32
    %dma_wait3A_269 = arith.constant 1 : i32
    %dma_wait3A_270 = arith.constant 1 : i32
    %dma_wait3A_271 = tpu.memref_slice %arg6[%dma_wait3A_270] : memref<4x!tpu.dma_semaphore, #tpu.memory_space<semaphore_mem>> -> memref<1x!tpu.dma_semaphore, #tpu.memory_space<semaphore_mem>>
    %dma_wait3A_272 = tpu.memref_squeeze %dma_wait3A_271 : memref<1x!tpu.dma_semaphore, #tpu.memory_space<semaphore_mem>> -> memref<!tpu.dma_semaphore, #tpu.memory_space<semaphore_mem>>
    %dma_wait3A_273 = arith.constant 0 : i32
    %dma_wait3A_274 = tpu.memref_slice %arg2[%mul3A_264, %mul3A_268, %dma_wait3A_273] : memref<32x768x1024xf32, #tpu.memory_space<hbm>> -> memref<4x192x1024xf32, #tpu.memory_space<hbm>>
    %dma_wait3A_275 = arith.constant 0 : i32
    %dma_wait3A_276 = arith.constant 0 : i32
    %dma_wait3A_277 = arith.constant 0 : i32
    %dma_wait3A_278 = tpu.memref_slice %arg4[%dma_wait3A_269, %dma_wait3A_275, %dma_wait3A_276, %dma_wait3A_277] : memref<4x4x192x1024xf32, #tpu.memory_space<vmem>> -> memref<1x4x192x1024xf32, #tpu.memory_space<vmem>>
    %dma_wait3A_279 = tpu.memref_squeeze %dma_wait3A_278 : memref<1x4x192x1024xf32, #tpu.memory_space<vmem>> -> memref<4x192x1024xf32, #tpu.memory_space<vmem>>
    tpu.wait_dma2 semaphore(%dma_wait3A_272 : memref<!tpu.dma_semaphore, #tpu.memory_space<semaphore_mem>>) src(%dma_wait3A_279 : memref<4x192x1024xf32, #tpu.memory_space<vmem>>) dst(%dma_wait3A_274 : memref<4x192x1024xf32, #tpu.memory_space<hbm>>)
    %rem3A_280 = arith.constant 30 : i32
    %rem3A_281 = arith.constant 4 : i32
    %rem3A_282 = arith.remsi %rem3A_280, %rem3A_281 : i32
    %mul3A_283 = arith.constant 8 : i32
    %mul3A_284 = arith.muli %rem3A_282, %mul3A_283 : i32
    %add3A_285 = arith.constant 7 : i32
    %add3A_286 = arith.addi %mul3A_284, %add3A_285 : i32
    %jit3A_287 = arith.constant 4 : i32
    %div3A_288 = arith.divsi %add3A_286, %jit3A_287 : i32
    %sign3A_289 = arith.constant 0 : i32
    %sign3A_290 = arith.cmpi sgt, %add3A_286, %sign3A_289 : i32
    %sign3A_291 = arith.extui %sign3A_290 : i1 to i32
    %sign3A_292 = arith.constant 0 : i32
    %sign3A_293 = arith.cmpi slt, %add3A_286, %sign3A_292 : i32
    %sign3A_294 = arith.extui %sign3A_293 : i1 to i32
    %sign3A_295 = arith.subi %sign3A_291, %sign3A_294 : i32
    %sign3A_296 = arith.constant 0 : i32
    %sign3A_297 = arith.cmpi sgt, %jit3A_287, %sign3A_296 : i32
    %sign3A_298 = arith.extui %sign3A_297 : i1 to i32
    %sign3A_299 = arith.constant 0 : i32
    %sign3A_300 = arith.cmpi slt, %jit3A_287, %sign3A_299 : i32
    %sign3A_301 = arith.extui %sign3A_300 : i1 to i32
    %sign3A_302 = arith.subi %sign3A_298, %sign3A_301 : i32
    %ne3A_303 = arith.cmpi ne, %sign3A_295, %sign3A_302 : i32
    %rem3A_304 = arith.remsi %add3A_286, %jit3A_287 : i32
    %ne3A_305 = arith.constant 0 : i32
    %ne3A_306 = arith.cmpi ne, %rem3A_304, %ne3A_305 : i32
    %and3A_307 = arith.andi %ne3A_303, %ne3A_306 : i1
    %sub3A_308 = arith.constant 1 : i32
    %sub3A_309 = arith.subi %div3A_288, %sub3A_308 : i32
    %select_n3A_310 = arith.select %and3A_307, %sub3A_309, %div3A_288 : i32
    %mul3A_311 = arith.constant 4 : i32
    %mul3A_312 = arith.muli %select_n3A_310, %mul3A_311 : i32
    %rem3A_313 = arith.constant 4 : i32
    %rem3A_314 = arith.remsi %add3A_286, %rem3A_313 : i32
    %mul3A_315 = arith.constant 192 : i32
    %mul3A_316 = arith.muli %rem3A_314, %mul3A_315 : i32
    %dma_wait3A_317 = arith.constant 2 : i32
    %dma_wait3A_318 = arith.constant 2 : i32
    %dma_wait3A_319 = tpu.memref_slice %arg6[%dma_wait3A_318] : memref<4x!tpu.dma_semaphore, #tpu.memory_space<semaphore_mem>> -> memref<1x!tpu.dma_semaphore, #tpu.memory_space<semaphore_mem>>
    %dma_wait3A_320 = tpu.memref_squeeze %dma_wait3A_319 : memref<1x!tpu.dma_semaphore, #tpu.memory_space<semaphore_mem>> -> memref<!tpu.dma_semaphore, #tpu.memory_space<semaphore_mem>>
    %dma_wait3A_321 = arith.constant 0 : i32
    %dma_wait3A_322 = tpu.memref_slice %arg2[%mul3A_312, %mul3A_316, %dma_wait3A_321] : memref<32x768x1024xf32, #tpu.memory_space<hbm>> -> memref<4x192x1024xf32, #tpu.memory_space<hbm>>
    %dma_wait3A_323 = arith.constant 0 : i32
    %dma_wait3A_324 = arith.constant 0 : i32
    %dma_wait3A_325 = arith.constant 0 : i32
    %dma_wait3A_326 = tpu.memref_slice %arg4[%dma_wait3A_317, %dma_wait3A_323, %dma_wait3A_324, %dma_wait3A_325] : memref<4x4x192x1024xf32, #tpu.memory_space<vmem>> -> memref<1x4x192x1024xf32, #tpu.memory_space<vmem>>
    %dma_wait3A_327 = tpu.memref_squeeze %dma_wait3A_326 : memref<1x4x192x1024xf32, #tpu.memory_space<vmem>> -> memref<4x192x1024xf32, #tpu.memory_space<vmem>>
    tpu.wait_dma2 semaphore(%dma_wait3A_320 : memref<!tpu.dma_semaphore, #tpu.memory_space<semaphore_mem>>) src(%dma_wait3A_327 : memref<4x192x1024xf32, #tpu.memory_space<vmem>>) dst(%dma_wait3A_322 : memref<4x192x1024xf32, #tpu.memory_space<hbm>>)
    %rem3A_328 = arith.constant 31 : i32
    %rem3A_329 = arith.constant 4 : i32
    %rem3A_330 = arith.remsi %rem3A_328, %rem3A_329 : i32
    %mul3A_331 = arith.constant 8 : i32
    %mul3A_332 = arith.muli %rem3A_330, %mul3A_331 : i32
    %add3A_333 = arith.constant 7 : i32
    %add3A_334 = arith.addi %mul3A_332, %add3A_333 : i32
    %jit3A_335 = arith.constant 4 : i32
    %div3A_336 = arith.divsi %add3A_334, %jit3A_335 : i32
    %sign3A_337 = arith.constant 0 : i32
    %sign3A_338 = arith.cmpi sgt, %add3A_334, %sign3A_337 : i32
    %sign3A_339 = arith.extui %sign3A_338 : i1 to i32
    %sign3A_340 = arith.constant 0 : i32
    %sign3A_341 = arith.cmpi slt, %add3A_334, %sign3A_340 : i32
    %sign3A_342 = arith.extui %sign3A_341 : i1 to i32
    %sign3A_343 = arith.subi %sign3A_339, %sign3A_342 : i32
    %sign3A_344 = arith.constant 0 : i32
    %sign3A_345 = arith.cmpi sgt, %jit3A_335, %sign3A_344 : i32
    %sign3A_346 = arith.extui %sign3A_345 : i1 to i32
    %sign3A_347 = arith.constant 0 : i32
    %sign3A_348 = arith.cmpi slt, %jit3A_335, %sign3A_347 : i32
    %sign3A_349 = arith.extui %sign3A_348 : i1 to i32
    %sign3A_350 = arith.subi %sign3A_346, %sign3A_349 : i32
    %ne3A_351 = arith.cmpi ne, %sign3A_343, %sign3A_350 : i32
    %rem3A_352 = arith.remsi %add3A_334, %jit3A_335 : i32
    %ne3A_353 = arith.constant 0 : i32
    %ne3A_354 = arith.cmpi ne, %rem3A_352, %ne3A_353 : i32
    %and3A_355 = arith.andi %ne3A_351, %ne3A_354 : i1
    %sub3A_356 = arith.constant 1 : i32
    %sub3A_357 = arith.subi %div3A_336, %sub3A_356 : i32
    %select_n3A_358 = arith.select %and3A_355, %sub3A_357, %div3A_336 : i32
    %mul3A_359 = arith.constant 4 : i32
    %mul3A_360 = arith.muli %select_n3A_358, %mul3A_359 : i32
    %rem3A_361 = arith.constant 4 : i32
    %rem3A_362 = arith.remsi %add3A_334, %rem3A_361 : i32
    %mul3A_363 = arith.constant 192 : i32
    %mul3A_364 = arith.muli %rem3A_362, %mul3A_363 : i32
    %dma_wait3A_365 = arith.constant 3 : i32
    %dma_wait3A_366 = arith.constant 3 : i32
    %dma_wait3A_367 = tpu.memref_slice %arg6[%dma_wait3A_366] : memref<4x!tpu.dma_semaphore, #tpu.memory_space<semaphore_mem>> -> memref<1x!tpu.dma_semaphore, #tpu.memory_space<semaphore_mem>>
    %dma_wait3A_368 = tpu.memref_squeeze %dma_wait3A_367 : memref<1x!tpu.dma_semaphore, #tpu.memory_space<semaphore_mem>> -> memref<!tpu.dma_semaphore, #tpu.memory_space<semaphore_mem>>
    %dma_wait3A_369 = arith.constant 0 : i32
    %dma_wait3A_370 = tpu.memref_slice %arg2[%mul3A_360, %mul3A_364, %dma_wait3A_369] : memref<32x768x1024xf32, #tpu.memory_space<hbm>> -> memref<4x192x1024xf32, #tpu.memory_space<hbm>>
    %dma_wait3A_371 = arith.constant 0 : i32
    %dma_wait3A_372 = arith.constant 0 : i32
    %dma_wait3A_373 = arith.constant 0 : i32
    %dma_wait3A_374 = tpu.memref_slice %arg4[%dma_wait3A_365, %dma_wait3A_371, %dma_wait3A_372, %dma_wait3A_373] : memref<4x4x192x1024xf32, #tpu.memory_space<vmem>> -> memref<1x4x192x1024xf32, #tpu.memory_space<vmem>>
    %dma_wait3A_375 = tpu.memref_squeeze %dma_wait3A_374 : memref<1x4x192x1024xf32, #tpu.memory_space<vmem>> -> memref<4x192x1024xf32, #tpu.memory_space<vmem>>
    tpu.wait_dma2 semaphore(%dma_wait3A_368 : memref<!tpu.dma_semaphore, #tpu.memory_space<semaphore_mem>>) src(%dma_wait3A_375 : memref<4x192x1024xf32, #tpu.memory_space<vmem>>) dst(%dma_wait3A_370 : memref<4x192x1024xf32, #tpu.memory_space<hbm>>)
    return
  }
}

</mosaic_0001>

<sc_bundles>
// kernel: kernel.4.cloned.1.call-start
scs
__scs_entry_jumppad:
0x0: {  	(pc) =	sbr.rel $0x88, $3  }
0x1: {  	(tag) =	ssettag $0x0;
	lr =	simm.s32 $0x1  }
0x2: {  	[smem:$0x3F9E] =	sst lr;
	_ =	strace $0xD0000000  }
0x3: {  	_ = 	snop  }
0x4: {  	_ = 	snop  }
0x5: {  	_ = 	snop  }
0x6: {  	_ = 	snop  }
0x7: {  	_ = 	snop  }
__scs_overlays_trampoline_lowered:
0x8: {  	[smem:$0x3FAD] =	sst s0  }
0x9: {  	[smem:$0x3FAE] =	sst s1  }
0xa: {  	[smem:$0x3FAF] =	sst s2  }
0xb: {  	[smem:$0x3FB0] =	sst s3  }
0xc: {  	[smem:$0x3FB1] =	sst s4  }
0xd: {  	[smem:$0x3FB2] =	sst s5  }
0xe: {  	[smem:$0x3FB3] =	sst s6  }
0xf: {  	[smem:$0x3FB4] =	sst s7  }
0x10: {  	[smem:$0x3FB5] =	sst s8  }
0x11: {  	[smem:$0x3FB6] =	sst s9;
	s0 =	simm.s32 @!p0 $0x0  }
0x12: {  	s1 =	sld [smem:$0x3F9C];
	s0 =	simm.s32 @p0 $0x1  }
0x13: {  	[smem:$0x3FB7] =	sst s0;
	s0 =	simm.s32 @!p1 $0x0  }
0x14: {  	s2 =	sld [smem:$0x3F9B];
	s0 =	simm.s32 @p1 $0x1  }
0x15: {  	[smem:$0x3FB8] =	sst s0;
	s0 =	simm.s32 @!p2 $0x0  }
0x16: {  	s3 =	sld [smem:$0x3FDB];
	s0 =	simm.s32 @p2 $0x1  }
0x17: {  	s4 =	simm.s32 $0x1BF5;
	[smem:$0x3FBA] =	sst s0  }
0x18: {  	s0 =	sld [smem:$0x3F9D];
	_ =	swait.ge [sflag:s4], $0x0  }
0x19: {  	s7 =	sld [smem:$0x3F9E]  }
0x1a: {  	s8 =	sadd.s32 $0xFFFFE003, lr  }
0x1b: {  	s9 =	sadd.s32 $0xFFFFFEF7, lr;
	s5 =	simm.s32 $0xFFFFFFFF;
	p2 =	slt.u32 s8, $0xFFFFF086  }
0x1c: {  	p1 =	slt.u32 s9, $0xF7A;
	s5 =	simm.s32 @!p2 $0x0  }
0x1d: {  	s5 =	simm.s32 @p1 $0x1;
	p0 =	seq.s32 s7, s2  }
0x1e: {  	s7 =	smul.u32 @!p0 $0xF7A, s2;
	p2 =	seq.s32 @!p0 s5, $0x0  }
0x1f: {  	s9 =	smul.u32 $0xF7A, s1;
	s8 =	simm.s32 @!p0 $0x1BF5;
	p2 =	por !p2, p0  }
0x20: {  	[sflag:s8] =	ssyncset.s32 @!p0 $0xFFFFF086;
	s6 =	sadd.s32 @!p0 s3, s7;
	s7 =	simm.s32 @!p0 $0x108  }
0x21: {  	s3 =	sadd.s32 s3, s9;
	s6 =	sadd.s32 @!p0 $0x88, s6;
	s7 =	simm.s32 @p2 $0x1082  }
0x22: {  	[simem:s7], [sflag:s8] =	dma.local @!p0 [hbm:s6], $0xF7A  }
0x23: {  	s9 =	sor.u32 $0xD0000000, s2;
	s6 =	simm.s32 $0x108;
	_ =	swait.ge @!p0 [sflag:s8], $0x0  }
0x24: {  	s3 =	sadd.s32 $0x88, s3;
	s6 =	simm.s32 @!p1 $0x1082;
	[sflag:s4] =	ssyncset.s32 $0xFFFFF086  }
0x25: {  	[simem:s6], [sflag:s4] =	dma.local [hbm:s3], $0xF7A  }
0x26: {  	[smem:$0x3F9E] =	sst s1;
	(tag) =	ssettag s2;
	_ =	strace s9  }
0x27: {  	s1 =	sld [smem:$0x3FAE]  }
0x28: {  	s2 =	sld [smem:$0x3FAF]  }
0x29: {  	s4 =	sld [smem:$0x3FB1]  }
0x2a: {  	p0 =	seq.s32 s5, $0x0;
	s5 =	sld [smem:$0x3FB2]  }
0x2b: {  	s6 =	sld [smem:$0x3FB3]  }
0x2c: {  	s7 =	sld [smem:$0x3FB4]  }
0x2d: {  	s3 =	simm.s32 $0x108;
	s8 =	sld [smem:$0x3FB5]  }
0x2e: {  	s3 =	simm.s32 @!p0 $0x1082;
	s9 =	sld [smem:$0x3FB6]  }
0x2f: {  	lr =	sadd.s32 s0, s3;
	s0 =	sld [smem:$0x3FAD]  }
0x30: {  	s3 =	sld [smem:$0x3FB0]  }
0x31: {  	[smem:$0x3FB9] =	sst s10  }
0x32: {  	s10 =	sld [smem:$0x3FB7];
	_ =	sdelay $0x3  }
0x33: {  	p0 =	seq.s32 s10, $0x1;
	s10 =	sld [smem:$0x3FB9];
	_ =	sdelay $0x3  }
0x34: {  	[smem:$0x3FB9] =	sst s10  }
0x35: {  	s10 =	sld [smem:$0x3FB8];
	_ =	sdelay $0x3  }
0x36: {  	p1 =	seq.s32 s10, $0x1;
	s10 =	sld [smem:$0x3FB9];
	_ =	sdelay $0x3  }
0x37: {  	[smem:$0x3FB9] =	sst s10  }
0x38: {  	s10 =	sld [smem:$0x3FBA]  }
0x39: {  	_ = 	snop;
	(pc) =	sbr.ind lr, $3  }
0x3a: {  	_ = 	snop  }
0x3b: {  	_ = 	snop  }
0x3c: {  	p2 =	seq.s32 s10, $0x1;
	s10 =	sld [smem:$0x3FB9]  }
0x3d: {  	_ =	shalt  }
0x3e: {  	_ =	shalt  }
0x3f: {  	_ =	shalt  }
0x40: {  	_ =	shalt  }
0x41: {  	_ =	shalt  }
0x42: {  	_ =	shalt  }
0x43: {  	_ =	shalt  }
0x44: {  	_ =	shalt  }
0x45: {  	_ =	shalt  }
0x46: {  	_ =	shalt  }
0x47: {  	_ =	shalt  }
0x48: {  	_ =	shalt  }
0x49: {  	_ =	shalt  }
0x4a: {  	_ =	shalt  }
0x4b: {  	_ =	shalt  }
0x4c: {  	_ =	shalt  }
0x4d: {  	_ =	shalt  }
0x4e: {  	_ =	shalt  }
0x4f: {  	_ =	shalt  }
0x50: {  	_ =	shalt  }
0x51: {  	_ =	shalt  }
0x52: {  	_ =	shalt  }
0x53: {  	_ =	shalt  }
0x54: {  	_ =	shalt  }
0x55: {  	_ =	shalt  }
0x56: {  	_ =	shalt  }
0x57: {  	_ =	shalt  }
0x58: {  	_ =	shalt  }
0x59: {  	_ =	shalt  }
0x5a: {  	_ =	shalt  }
0x5b: {  	_ =	shalt  }
0x5c: {  	_ =	shalt  }
0x5d: {  	_ =	shalt  }
0x5e: {  	_ =	shalt  }
0x5f: {  	_ =	shalt  }
0x60: {  	_ =	shalt  }
0x61: {  	_ =	shalt  }
0x62: {  	_ =	shalt  }
0x63: {  	_ =	shalt  }
0x64: {  	_ =	shalt  }
0x65: {  	_ =	shalt  }
0x66: {  	_ =	shalt  }
0x67: {  	_ =	shalt  }
0x68: {  	_ =	shalt  }
0x69: {  	_ =	shalt  }
0x6a: {  	_ =	shalt  }
0x6b: {  	_ =	shalt  }
0x6c: {  	_ =	shalt  }
0x6d: {  	_ =	shalt  }
0x6e: {  	_ =	shalt  }
0x6f: {  	_ =	shalt  }
0x70: {  	_ =	shalt  }
0x71: {  	_ =	shalt  }
0x72: {  	_ =	shalt  }
0x73: {  	_ =	shalt  }
0x74: {  	_ =	shalt  }
0x75: {  	_ =	shalt  }
0x76: {  	_ =	shalt  }
0x77: {  	_ =	shalt  }
0x78: {  	_ =	shalt  }
0x79: {  	_ =	shalt  }
0x7a: {  	_ =	shalt  }
0x7b: {  	_ =	shalt  }
0x7c: {  	_ =	shalt  }
0x7d: {  	_ =	shalt  }
0x7e: {  	_ =	shalt  }
0x7f: {  	_ =	shalt  }
0x80: {  	_ =	shalt  }
0x81: {  	_ =	shalt  }
0x82: {  	_ =	shalt  }
0x83: {  	_ =	shalt  }
0x84: {  	_ =	shalt  }
0x85: {  	_ =	shalt  }
0x86: {  	_ =	shalt  }
0x87: {  	_ =	shalt  }
.Lfunc_end0:
.L_simem_size_0:
called_computation_lowered:
.L_overlay_start_0:
0x88: {  	s2 =	sld [smem:$0x3FD9]  }
0x89: {  	s3 =	sld [smem:$0x3FFE];
	_ =	sdelay $0x1  }
0x8a: {  	s1 =	srdreg.scid  }
0x8b: {  	s0 =	sand.u32 $0x1, s1  }
0x8c: {  	s17 =	sshll.u32 s0, $0xA;
	s2 =	sadd.s32 s3, s2  }
0x8d: {  	s2 =	sadd.s32 s2, s17  }
0x8e: {  	[smem:$0x3FC5] =	sst s2  }
0x8f: {  	_ = 	snop  }
0x90: {  	s2 =	sld [smem:$0x3FC8]  }
0x91: {  	s18 =	sld [smem:$0x3FC7];
	(tm) =	ssettm $0x1  }
0x92: {  	s4 =	sld [smem:$0x3FFB];
	_ =	sdelay $0x3  }
0x93: {  	_ =	strace s4  }
0x94: {  	s4 =	sld [smem:$0x3FFC];
	_ =	sdelay $0x3  }
0x95: {  	_ =	strace s4  }
0x96: {  	s4 =	sld [smem:$0x3FFD];
	_ =	sdelay $0x3  }
0x97: {  	_ =	strace s4  }
0x98: {  	_ =	strace $0x8FFFFFFF  }
0x99: {  	s19 =	sld [smem:$0x3FDB];
	_ =	sdelay $0x1  }
0x9a: {  	s5 =	simm.s32 $_scs_section_size  }
0x9b: {  	s6 =	simm.s32 $_size__tile_overlayer_lowered;
	s7 =	simm.s32 $_tile_overlayer_lowered  }
0x9c: {  	s22 =	simm.s32 $0x1BFF;
	s21 =	sshll.u32 s7, $0x1;
	s4 =	sadd.s32 s5, s19  }
0x9d: {  	s8 =	simm.s32 $0x0;
	s20 =	sshll.u32 s6, $0x1;
	s6 =	sadd.s32 s21, s4  }
0x9e: {  	[timem:s8], [sflag:s22] =	dma.local [hbm:s6], s20  }
0x9f: {  	_ =	swait.ge [sflag:s22], s20  }
0xa0: {  	s5 =	ssub.s32 $0x0, s20;
	[sflag:s22] =	ssyncset.done $0x0  }
0xa1: {  	[sflag:s22] =	ssyncadd.s32 s5;
	_ =	sdelay $0x1  }
0xa2: {  	s23 =	simm.s32 $0x1B8B  }
0xa3: {  	_ =	swait.ge [sflag:s23], $0x1  }
0xa4: {  	[sflag:s23] =	ssyncset.done $0x0  }
0xa5: {  	s25 =	simm.s32 $0x1B8E;
	s24 =	sld [smem:$0x3FFE];
	[sflag:s23] =	ssyncadd.s32 $0xFFFFFFFF  }
0xa6: {  	s26 =	simm.s32 $execute0_lowered;
	[smem:$0x3FD2] =	sst s25  }
0xa7: {  	s6 =	sshll.u32 s26, $0x1;
	_ =	strace $0x80000046;
	[dreg:$0x1] =	wrdreg $0xFFFFFFFF  }
0xa8: {  	s28 =	simm.s32 $_size_execute0_lowered;
	s4 =	sadd.s32 s4, s6;
	[dreg:$0x0] =	wrdreg $0x0  }
0xa9: {  	s6 =	sshll.u32 s28, $0x1;
	[dreg:$0x2] =	wrdreg s4  }
0xaa: {  	[dreg:$0x3] =	wrdreg s6  }
0xab: {  	[dreg:$0x4] =	wrdreg $0xC0  }
0xac: {  	_ =	task [dreg:s8], $0x5FFFF  }
0xad: {  	[dreg:$0x1] =	wrdreg $0xFFFFFFFF  }
0xae: {  	[dreg:$0x0] =	wrdreg $0x60  }
0xaf: {  	[dreg:$0x2] =	wrdreg s18  }
0xb0: {  	[dreg:$0x3] =	wrdreg s2  }
0xb1: {  	[dreg:$0x4] =	wrdreg s24  }
0xb2: {  	[dreg:$0x5] =	wrdreg $0x9  }
0xb3: {  	_ =	task.clear_ibuf [dreg:s8], $0x6FFFF;
	_ =	strace $0x90000046  }
0xb4: {  	s29 =	simm.s32 $0x9;
	_ =	strace $0x80000048  }
0xb5: {  	_ =	swait.ge [sflag:s29], $0x1  }
0xb6: {  	[sflag:s29] =	ssyncadd.s32 $0xFFFFFFFF  }
0xb7: {  	_ =	strace $0x90000048  }
0xb8: {  	_ =	sfence  }
0xb9: {  	s30 =	sld [smem:$0x0];
	_ =	sdelay $0x2  }
0xba: {  	s31 =	sshll.u32 s1, $0xD;
	s1 =	sshrl.u32 s1, $0x2  }
0xbb: {  	s3 =	sand.u32 $0x4000, s31;
	s1 =	sadd.s32 s1, s30  }
0xbc: {  	s0 =	sor.u32 s3, s0;
	s1 =	sshll.u32 s1, $0x11  }
0xbd: {  	s0 =	sor.u32 s1, s0  }
0xbe: {  	s0 =	sadd.s32 $0x8F2B, s0  }
0xbf: {  	[sflag:s0] =	ssyncadd.remote.s32 $0x1  }
0xc0: {  	_ =	sfence.sel $0xFFFF  }
0xc1: {  	[dreg:$0x0] =	wrdreg $0xFFFFFFFF;
	(pc) =	sbr.abs _section_cstart, $3  }
0xc2: {  	[dreg:$0x1] =	wrdreg $0xFFFFFFFF  }
0xc3: {  	_ =	task.clear_ibuf [dreg:s8], $0x2FFFF;
	_ =	strace $0x9FFFFFFF  }
0xc4: {  	(tm) =	ssettm $0x7FFFFFFF  }
0xc5: {  	_ =	shalt  }
tec
execute0_lowered:
.L_overlay_start_1:
0x0: {  	(tag) =	ssettag $0x1  }
0x1: {  	s1 =	stileid.u32  }
0x2: {  	p0 =	sgt.u32 s1, $0x1  }
.Ltmp0:
0x3: {  	s2 =	rddreg [dreg:$0x0];
	(pc) =	sbr.rel @p0 .LBB2_4-.Ltmp0, $4  }
0x4: {  	s4 =	rddreg [dreg:$0x1]  }
0x5: {  	s12 =	rddreg [dreg:$0x2];
	s3 =	simm.s32 $0x0  }
0x6: {  	[smem:$0x7FF] =	sst s3  }
0x7: {  	s0 =	rddreg [dreg:$0x3];
	_ =	strace $0x80000047  }
0x8: {  	s5 =	srdreg.scid  }
0x9: {  	s30 =	sshll.u32 s1, $0x1;
	s10 =	sand.u32 $0x1, s5  }
0xa: {  	s6 =	sor.u32 s10, s30  }
0xb: {  	s5 =	sadd.s32 s4, s6;
	s4 =	simm.s32 $0x2  }
0xc: {  	[tilespmem:s3], [sflag:$0x2] =	stream.linear.gather [hbm4b:s5+s3], $0x8, $0x38;
	[tilespmem:$0x1880] =	vst v63  }
0xd: {  	_ =	swait.ge [sflag:s4], $0x8  }
0xe: {  	[sflag:s4] =	ssyncset.done $0x0  }
0xf: {  	[sflag:s4] =	ssyncadd.s32 $0xFFFFFFF8  }
0x10: {  	v0 =	vld.msk [tilespmem:$0x0], $0xff;
	_ =	sdelay $0x4  }
0x11: {  	v1 =	vshrl.u32 v0, $0x3  }
0x12: {  	v1 =	vmul.u32 $0x30, v1  }
0x13: {  	v2 =	vlaneseq.u32;
	v3 =	vand.u32 $0x7, v0  }
0x14: {  	v0 =	vand.u32 $0x7, v2;
	v2 =	vshrl.u32 v2, $0x3;
	v3 =	vor.u32 v3, v1  }
0x15: {  	v1 =	vmul.u32 $0x8, v2;
	v2 =	vperm.xlane v3, v0;
	_ =	sdelay $0x1  }
0x16: {  	v2 =	vadd.s32 v1, v2;
	_ =	sdelay $0x2  }
0x17: {  	s7 =	sadd.s32 $0x100, s2;
	s8 =	sadd.s32 $0x200, s2;
	s14 =	ssub.s32 $0x2, s10  }
0x18: {  	vm0 =	vmmov $0xffff;
	s13 =	smul.u32 $0x300, s6;
	s6 =	simm.s32 $0x80;
	s15 =	sshrl.u32 s14, $0x1  }
0x19: {  	[tilespmem:s6], [sflag:$0x1] =	stream.indirect_vreg.gather [hbm4b:s2+s3], $0x80, v2, vm0, $0xb8;
	[tilespmem:$0x1880] =	vst v63  }
0x1a: {  	s9 =	simm.s32 $0x880;
	s11 =	simm.s32 $0x1;
	s31 =	ssub.s32 s14, s15  }
0x1b: {  	[tilespmem:s9], [sflag:$0x1] =	stream.indirect_vreg.gather [hbm4b:s7+s3], $0x80, v2, vm0, $0xb8;
	[tilespmem:$0x1880] =	vst v63  }
0x1c: {  	s10 =	simm.s32 $0x1080;
	s12 =	sadd.s32 s13, s12;
	s13 =	smax.u32 s31, $0x1  }
0x1d: {  	[tilespmem:s10], [sflag:$0x1] =	stream.indirect_vreg.gather [hbm4b:s8+s3], $0x80, v2, vm0, $0xb8;
	[tilespmem:$0x1880] =	vst v63  }
0x1e: {  	p0 =	sne.s32 s13, $0x1;
	_ =	swait.ge [sflag:s11], $0x1800  }
.Ltmp1:
0x1f: {  	[sflag:s11] =	ssyncset.done $0x0;
	(pc) =	sbr.rel @!p0 .LBB2_3-.Ltmp1, $4  }
0x20: {  	s12 =	sadd.s32 $0x400, s12;
	[sflag:s11] =	ssyncadd.s32 $0xFFFFE800  }
0x21: {  	[hbm4b:s12+s3] =	stream.linear.scatter [tilespmem:s6], [sflag:$0x2], $0x1800, $0x38;
	[tilespmem:$0x1880] =	vst v63  }
0x22: {  	_ =	swait.ge [sflag:s4], $0x1800  }
0x23: {  	s13 =	sadd.s32 $0xFFFFFFFF, s13;
	[sflag:s4] =	ssyncset.done $0x0  }
.LBB2_2:
0x24: {  	p0 =	sne.s32 s13, $0x1;
	s13 =	sadd.s32 $0xFFFFFFFF, s13;
	[sflag:s4] =	ssyncadd.s32 $0xFFFFE800  }
0x25: {  	[tilespmem:s3], [sflag:$0x2] =	stream.linear.gather [hbm4b:s5+s3], $0x8, $0x38;
	[tilespmem:$0x1880] =	vst v63  }
0x26: {  	_ =	swait.ge [sflag:s4], $0x8  }
0x27: {  	[sflag:s4] =	ssyncset.done $0x0  }
0x28: {  	[sflag:s4] =	ssyncadd.s32 $0xFFFFFFF8  }
0x29: {  	v2 =	vld.msk [tilespmem:$0x0], $0xff;
	_ =	sdelay $0x4  }
0x2a: {  	v3 =	vshrl.u32 v2, $0x3  }
0x2b: {  	v3 =	vmul.u32 $0x30, v3  }
0x2c: {  	v2 =	vand.u32 $0x7, v2  }
0x2d: {  	v2 =	vor.u32 v2, v3  }
0x2e: {  	v2 =	vperm.xlane v2, v0;
	_ =	sdelay $0x1  }
0x2f: {  	v2 =	vadd.s32 v1, v2;
	_ =	sdelay $0x4  }
0x30: {  	[tilespmem:s6], [sflag:$0x1] =	stream.indirect_vreg.gather [hbm4b:s2+s3], $0x80, v2, vm0, $0xb8;
	[tilespmem:$0x1880] =	vst v63  }
0x31: {  	_ = 	snop  }
0x32: {  	[tilespmem:s9], [sflag:$0x1] =	stream.indirect_vreg.gather [hbm4b:s7+s3], $0x80, v2, vm0, $0xb8;
	[tilespmem:$0x1880] =	vst v63  }
0x33: {  	_ = 	snop  }
0x34: {  	[tilespmem:s10], [sflag:$0x1] =	stream.indirect_vreg.gather [hbm4b:s8+s3], $0x80, v2, vm0, $0xb8;
	[tilespmem:$0x1880] =	vst v63  }
0x35: {  	_ =	swait.ge [sflag:s11], $0x1800  }
.Ltmp2:
0x36: {  	[sflag:s11] =	ssyncset.done $0x0;
	(pc) =	sbr.rel @p0 .LBB2_2-.Ltmp2, $4  }
0x37: {  	[sflag:s11] =	ssyncadd.s32 $0xFFFFE800  }
0x38: {  	[hbm4b:s12+s3] =	stream.linear.scatter [tilespmem:s6], [sflag:$0x2], $0x1800, $0x38;
	[tilespmem:$0x1880] =	vst v63  }
0x39: {  	_ =	swait.ge [sflag:s4], $0x1800  }
0x3a: {  	[sflag:s4] =	ssyncset.done $0x0  }
.LBB2_3:
0x3b: {  	[sflag:s4] =	ssyncadd.s32 $0xFFFFE800  }
.LBB2_4:
0x3c: {  	_ =	sfence.sel $0x180000  }
0x3d: {  	[bflag:$0x0] =	sbarrier.arrive $0xFFFF  }
0x3e: {  	p0 =	sne.s32 s1, $0x0;
	_ =	strace $0x90000047  }
0x3f: {  	s0 =	sadd.s32 @!p0 $0x100000, s0;
	[bflag:$0x2] =	sbarrier.arrive $0xFFFF  }
0x40: {  	[sflag:s0] =	ssyncadd.tile.s32 @!p0 $0x1;
	_ =	shalt  }
.Lfunc_end2:
_tile_overlayer_lowered:
.L_overlay_start_2:
0x41: {  	(tag) =	ssettag $0x2  }
0x42: {  	s0 =	rddreg [dreg:$0x0];
	s2 =	stileid.u32  }
0x43: {  	s1 =	rddreg [dreg:$0x1];
	p0 =	sne.s32 s2, $0x0  }
0x44: {  	s3 =	rddreg [dreg:$0x2];
	[bflag:$0x3] =	sbarrier.arrive $0xFFFF;
	s2 =	simm.s32 @!p0 $0x1C02  }
0x45: {  	[timem:s3], [sflag:s2] =	dma.local @!p0 [hbm:s0], s1  }
0x46: {  	s0 =	simm.s32 @!p0 $0x2  }
0x47: {  	_ =	swait.ge @!p0 [sflag:s0], s1  }
0x48: {  	s1 =	ssub.s32 @!p0 $0x0, s1;
	[sflag:s0] =	ssyncset.done @!p0 $0x0  }
0x49: {  	[sflag:s0] =	ssyncadd.s32 @!p0 s1  }
0x4a: {  	[bflag:$0x3] =	sbarrier.arrive $0xFFFF  }
0x4b: {  	_ =	shalt  }

</sc_bundles>
